<compile_context>
chip_gen: v7x
topology: tpu7x:2x2x1
jax: 0.10.2.dev20260603
libtpu: 0.0.44.dev20260713+nightly
codegen_flags: <defaults>
</compile_context>

<pallas_src>
import jax
import jax.numpy as jnp
from jax import lax
from jax.experimental import pallas as pl
from jax.experimental.pallas import tpu as pltpu
from jax.experimental.pallas import tpu_sc as plsc

BATCH = 16384
N_FIELDS = 26
NUM_CORES = 2
NUM_SUBCORES = 16
N_WORKERS = NUM_CORES * NUM_SUBCORES
B_PER_W = BATCH // N_WORKERS
IDX_PER_W = B_PER_W * N_FIELDS
ROW = 128
ROWS_PER_F = B_PER_W // ROW
N_ROWS = IDX_PER_W // ROW
L = 16


def _sc_body(xt_hbm, w_hbm, b_hbm, out_hbm, idx_v, vals_v, sums_v, bias_v, sem, isem):
    wid = lax.axis_index("s") * NUM_CORES + lax.axis_index("c")
    base = wid * B_PER_W

    def stage(f, c):
        pltpu.make_async_copy(
            xt_hbm.at[f, pl.ds(base, B_PER_W)], idx_v.at[f], isem
        ).start()
        return c

    lax.fori_loop(0, N_FIELDS, stage, 0)
    pltpu.sync_copy(b_hbm, bias_v)
    bias = plsc.load_gather(bias_v, [jnp.zeros((L,), jnp.int32)])

    w1 = w_hbm.at[0]

    def fire(f, c):
        pltpu.make_async_copy(
            xt_hbm.at[f, pl.ds(base, B_PER_W)], idx_v.at[f], isem
        ).wait()
        for r in range(ROWS_PER_F):
            pltpu.make_async_copy(
                w1.at[idx_v.at[f, pl.ds(r * ROW, ROW)]],
                vals_v.at[pl.ds(f * B_PER_W + r * ROW, ROW)],
                sem,
            ).start()
        return c

    lax.fori_loop(0, N_FIELDS, fire, 0)

    n_chunks = B_PER_W // L

    def drain(f, accs):
        for r in range(ROWS_PER_F):
            pltpu.make_async_copy(
                w1.at[idx_v.at[f, pl.ds(r * ROW, ROW)]],
                vals_v.at[pl.ds(f * B_PER_W + r * ROW, ROW)],
                sem,
            ).wait()
        return tuple(
            accs[c] + vals_v[pl.ds(f * B_PER_W + c * L, L)]
            for c in range(n_chunks)
        )

    accs = lax.fori_loop(0, N_FIELDS, drain, (bias,) * n_chunks)

    for c in range(n_chunks):
        acc = accs[c]
        e = jnp.exp(-jnp.abs(acc))
        s = jnp.where(acc >= 0, 1.0 / (1.0 + e), e / (1.0 + e))
        sums_v[pl.ds(c * L, L)] = s

    pltpu.sync_copy(sums_v, out_hbm.at[pl.ds(base, B_PER_W)])


def kernel(x, W, bias):
    xt = x.astype(jnp.int32).T
    w1 = W.T
    b1 = bias.astype(jnp.float32)
    mesh = plsc.VectorSubcoreMesh(core_axis_name="c", subcore_axis_name="s")
    out = pl.kernel(
        _sc_body,
        out_type=jax.ShapeDtypeStruct((BATCH,), jnp.float32),
        mesh=mesh,
        compiler_params=pltpu.CompilerParams(needs_layout_passes=False),
        scratch_types=[
            pltpu.VMEM((N_FIELDS, B_PER_W), jnp.int32),
            pltpu.VMEM((IDX_PER_W,), jnp.float32),
            pltpu.VMEM((B_PER_W,), jnp.float32),
            pltpu.VMEM((1,), jnp.float32),
            pltpu.SemaphoreType.DMA,
            pltpu.SemaphoreType.DMA,
        ],
    )(xt, w1, b1)
    return out.reshape(BATCH, 1)

# --- scband reference (transcript-rebuilt; emitter-appended) ---
"""Pipeline reference for scband-lr-25701084299891 (READ-ONLY COPY).

The authoritative reference and input builder live on the scoring server;
editing this copy changes nothing except your own understanding.
"""

import jax, jax.numpy as jnp
import numpy as np

FEATURE_NUMS = 1000000
OUTPUT_DIM = 1
BATCH = 16384
N_FIELDS = 26

def setup_inputs(seed: int = 0) -> dict:
    key = jax.random.key(seed)
    k1, k2 = jax.random.split(key, 2)
    x = jax.random.randint(k1, (BATCH, N_FIELDS), 0, FEATURE_NUMS, dtype=jnp.int64 if jax.config.jax_enable_x64 else jnp.int32)
    # nn.Embedding default init: N(0,1)
    W = jax.random.normal(k2, (FEATURE_NUMS, OUTPUT_DIM), dtype=jnp.float32)
    bias = jnp.zeros((OUTPUT_DIM,), dtype=jnp.float32)
    return {"x": x, "W": W, "bias": bias}

def reference(x, W, bias):
    # embedding lookup: (B, F) -> (B, F, output_dim)
    emb = jnp.take(W, x, axis=0)
    out = bias + jnp.sum(emb, axis=1)  # (B, output_dim)
    pctrs = jax.nn.sigmoid(out)
    return pctrs

if __name__ == "__main__":
    import jax
    _d = setup_inputs()
    print(jax.jit(kernel)(*tuple(_d.values())))

</pallas_src>

<mosaic_0001>
#map = affine_map<(d0, d1) -> (0, 0)>
#map1 = affine_map<(d0, d1) -> (0)>
module attributes {stable_mosaic.version = 14 : i64} {
  func.func @_sc_body(%arg0: i32, %arg1: i32, %arg2: memref<26x16384xi32, #tpu.memory_space<hbm>>, %arg3: memref<1x1000000xf32, #tpu.memory_space<hbm>>, %arg4: memref<1xf32, #tpu.memory_space<hbm>>, %arg5: memref<16384xf32, #tpu.memory_space<hbm>>, %arg6: memref<26x512xi32, #tpu.memory_space<vmem>>, %arg7: memref<13312xf32, #tpu.memory_space<vmem>>, %arg8: memref<512xf32, #tpu.memory_space<vmem>>, %arg9: memref<1xf32, #tpu.memory_space<vmem>>, %arg10: memref<!tpu.dma_semaphore, #tpu.memory_space<semaphore_mem>>, %arg11: memref<!tpu.dma_semaphore, #tpu.memory_space<semaphore_mem>>) attributes {dimension_semantics = [#tpu.dimension_semantics<core_parallel>, #tpu.dimension_semantics<subcore_parallel>], iteration_bounds = array<i64: 2, 16>, scalar_prefetch = 0 : i64, scratch_operands = 6 : i64, tpu.core_type = #tpu.core_type<sc_vector_subcore>, window_params = [{transform_indices = #map}, {transform_indices = #map}, {transform_indices = #map1}, {transform_indices = #map1}]} {
    %mul3A = arith.constant 2 : i32
    %mul3A_0 = arith.muli %arg1, %mul3A : i32
    %add3A = arith.addi %mul3A_0, %arg0 : i32
    %mul3A_1 = arith.constant 512 : i32
    %mul3A_2 = arith.muli %add3A, %mul3A_1 : i32
    %scan3A = arith.constant 0 : i32
    %scan3A_3 = arith.constant 0 : i32
    %scan3A_4 = arith.constant 26 : i32
    %scan3A_5 = arith.addi %scan3A_3, %scan3A_4 : i32
    %scan3A_6 = arith.constant 1 : i32
    scf.for %scan3A_688 = %scan3A_3 to %scan3A_5 step %scan3A_6  : i32 {
      %dma_start3A = arith.constant 0 : i32
      %dma_start3A_689 = tpu.memref_slice %arg6[%scan3A_688, %dma_start3A] : memref<26x512xi32, #tpu.memory_space<vmem>> -> memref<1x512xi32, #tpu.memory_space<vmem>>
      %dma_start3A_690 = tpu.memref_squeeze %dma_start3A_689 : memref<1x512xi32, #tpu.memory_space<vmem>> -> memref<512xi32, #tpu.memory_space<vmem>>
      %dma_start3A_691 = tpu.memref_slice %arg2[%scan3A_688, %mul3A_2] : memref<26x16384xi32, #tpu.memory_space<hbm>> -> memref<1x512xi32, #tpu.memory_space<hbm>>
      %dma_start3A_692 = tpu.memref_squeeze %dma_start3A_691 : memref<1x512xi32, #tpu.memory_space<hbm>> -> memref<512xi32, #tpu.memory_space<hbm>>
      %dma_start3A_693 = arith.constant 0 : i32
      %dma_start3A_694 = tpu.memref_slice %arg6[%scan3A_688, %dma_start3A_693] : memref<26x512xi32, #tpu.memory_space<vmem>> -> memref<1x512xi32, #tpu.memory_space<vmem>>
      %dma_start3A_695 = tpu.memref_squeeze %dma_start3A_694 : memref<1x512xi32, #tpu.memory_space<vmem>> -> memref<512xi32, #tpu.memory_space<vmem>>
      %dma_start3A_696 = tpu.memref_slice %arg2[%scan3A_688, %mul3A_2] : memref<26x16384xi32, #tpu.memory_space<hbm>> -> memref<1x512xi32, #tpu.memory_space<hbm>>
      %dma_start3A_697 = tpu.memref_squeeze %dma_start3A_696 : memref<1x512xi32, #tpu.memory_space<hbm>> -> memref<512xi32, #tpu.memory_space<hbm>>
      tpu.enqueue_dma source(%dma_start3A_697 : memref<512xi32, #tpu.memory_space<hbm>>) target(%dma_start3A_695 : memref<512xi32, #tpu.memory_space<vmem>>) target_semaphore(%arg11 : memref<!tpu.dma_semaphore, #tpu.memory_space<semaphore_mem>>)
    }
    %scan3A_7 = arith.constant 26 : i32
    "tpu.region"() ({
      %run_scoped3A = tpu.sem_alloc : memref<!tpu.dma_semaphore, #tpu.memory_space<semaphore_mem>>
      tpu.enqueue_dma source(%arg4 : memref<1xf32, #tpu.memory_space<hbm>>) target(%arg9 : memref<1xf32, #tpu.memory_space<vmem>>) target_semaphore(%run_scoped3A : memref<!tpu.dma_semaphore, #tpu.memory_space<semaphore_mem>>)
      tpu.wait_dma2 semaphore(%run_scoped3A : memref<!tpu.dma_semaphore, #tpu.memory_space<semaphore_mem>>) src(%arg4 : memref<1xf32, #tpu.memory_space<hbm>>) dst(%arg9 : memref<1xf32, #tpu.memory_space<vmem>>)
      tpu.yield
    }) : () -> ()
    %broadcast_in_dim3A = arith.constant 0 : i32
    %broadcast_in_dim3A_8 = vector.broadcast %broadcast_in_dim3A : i32 to vector<16xi32>
    %gather3A = tpu.vector_load_idx %arg9[%broadcast_in_dim3A_8] : memref<1xf32, #tpu.memory_space<vmem>>[vector<16xi32>], vector<16xf32>,
    %scan3A_9 = arith.constant 0 : i32
    %scan3A_10 = arith.constant 0 : i32
    %scan3A_11 = arith.constant 0 : i32
    %scan3A_12 = arith.constant 26 : i32
    %scan3A_13 = arith.addi %scan3A_11, %scan3A_12 : i32
    %scan3A_14 = arith.constant 1 : i32
    scf.for %scan3A_688 = %scan3A_11 to %scan3A_13 step %scan3A_14  : i32 {
      %dma_wait3A = arith.constant 0 : i32
      %dma_wait3A_689 = tpu.memref_slice %arg6[%scan3A_688, %dma_wait3A] : memref<26x512xi32, #tpu.memory_space<vmem>> -> memref<1x512xi32, #tpu.memory_space<vmem>>
      %dma_wait3A_690 = tpu.memref_squeeze %dma_wait3A_689 : memref<1x512xi32, #tpu.memory_space<vmem>> -> memref<512xi32, #tpu.memory_space<vmem>>
      %dma_wait3A_691 = tpu.memref_slice %arg2[%scan3A_688, %mul3A_2] : memref<26x16384xi32, #tpu.memory_space<hbm>> -> memref<1x512xi32, #tpu.memory_space<hbm>>
      %dma_wait3A_692 = tpu.memref_squeeze %dma_wait3A_691 : memref<1x512xi32, #tpu.memory_space<hbm>> -> memref<512xi32, #tpu.memory_space<hbm>>
      %dma_wait3A_693 = arith.constant 0 : i32
      %dma_wait3A_694 = tpu.memref_slice %arg6[%scan3A_688, %dma_wait3A_693] : memref<26x512xi32, #tpu.memory_space<vmem>> -> memref<1x512xi32, #tpu.memory_space<vmem>>
      %dma_wait3A_695 = tpu.memref_squeeze %dma_wait3A_694 : memref<1x512xi32, #tpu.memory_space<vmem>> -> memref<512xi32, #tpu.memory_space<vmem>>
      %dma_wait3A_696 = tpu.memref_slice %arg2[%scan3A_688, %mul3A_2] : memref<26x16384xi32, #tpu.memory_space<hbm>> -> memref<1x512xi32, #tpu.memory_space<hbm>>
      %dma_wait3A_697 = tpu.memref_squeeze %dma_wait3A_696 : memref<1x512xi32, #tpu.memory_space<hbm>> -> memref<512xi32, #tpu.memory_space<hbm>>
      tpu.wait_dma2 semaphore(%arg11 : memref<!tpu.dma_semaphore, #tpu.memory_space<semaphore_mem>>) src(%dma_wait3A_697 : memref<512xi32, #tpu.memory_space<hbm>>) dst(%dma_wait3A_695 : memref<512xi32, #tpu.memory_space<vmem>>)
      %mul3A_698 = arith.constant 512 : i32
      %mul3A_699 = arith.muli %scan3A_688, %mul3A_698 : i32
      %add3A_700 = arith.constant 0 : i32
      %add3A_701 = arith.addi %mul3A_699, %add3A_700 : i32
      %dma_start3A = tpu.memref_slice %arg7[%add3A_701] : memref<13312xf32, #tpu.memory_space<vmem>> -> memref<128xf32, #tpu.memory_space<vmem>>
      %dma_start3A_702 = arith.constant 0 : i32
      %dma_start3A_703 = tpu.memref_slice %arg6[%scan3A_688, %dma_start3A_702] : memref<26x512xi32, #tpu.memory_space<vmem>> -> memref<1x128xi32, #tpu.memory_space<vmem>>
      %dma_start3A_704 = tpu.memref_squeeze %dma_start3A_703 : memref<1x128xi32, #tpu.memory_space<vmem>> -> memref<128xi32, #tpu.memory_space<vmem>>
      %dma_start3A_705 = arith.constant 0 : i32
      %dma_start3A_706 = tpu.memref_slice %arg3[%scan3A_10, %dma_start3A_705] : memref<1x1000000xf32, #tpu.memory_space<hbm>> -> memref<1x1000000xf32, #tpu.memory_space<hbm>>
      %dma_start3A_707 = tpu.memref_squeeze %dma_start3A_706 : memref<1x1000000xf32, #tpu.memory_space<hbm>> -> memref<1000000xf32, #tpu.memory_space<hbm>>
      %dma_start3A_708 = arith.constant 0 : i32
      %dma_start3A_709 = tpu.memref_slice %dma_start3A_707[%dma_start3A_708] : memref<1000000xf32, #tpu.memory_space<hbm>> -> memref<1000000xf32, #tpu.memory_space<hbm>>
      tpu.enqueue_indirect_dma source(%dma_start3A_709 : memref<1000000xf32, #tpu.memory_space<hbm>>) target(%dma_start3A : memref<128xf32, #tpu.memory_space<vmem>>) offsets(%dma_start3A_704 : memref<128xi32, #tpu.memory_space<vmem>>) semaphore(%arg10 : memref<!tpu.dma_semaphore, #tpu.memory_space<semaphore_mem>>)
      %mul3A_710 = arith.constant 512 : i32
      %mul3A_711 = arith.muli %scan3A_688, %mul3A_710 : i32
      %add3A_712 = arith.constant 128 : i32
      %add3A_713 = arith.addi %mul3A_711, %add3A_712 : i32
      %dma_start3A_714 = tpu.memref_slice %arg7[%add3A_713] : memref<13312xf32, #tpu.memory_space<vmem>> -> memref<128xf32, #tpu.memory_space<vmem>>
      %dma_start3A_715 = arith.constant 128 : i32
      %dma_start3A_716 = tpu.memref_slice %arg6[%scan3A_688, %dma_start3A_715] : memref<26x512xi32, #tpu.memory_space<vmem>> -> memref<1x128xi32, #tpu.memory_space<vmem>>
      %dma_start3A_717 = tpu.memref_squeeze %dma_start3A_716 : memref<1x128xi32, #tpu.memory_space<vmem>> -> memref<128xi32, #tpu.memory_space<vmem>>
      %dma_start3A_718 = arith.constant 0 : i32
      %dma_start3A_719 = tpu.memref_slice %arg3[%scan3A_10, %dma_start3A_718] : memref<1x1000000xf32, #tpu.memory_space<hbm>> -> memref<1x1000000xf32, #tpu.memory_space<hbm>>
      %dma_start3A_720 = tpu.memref_squeeze %dma_start3A_719 : memref<1x1000000xf32, #tpu.memory_space<hbm>> -> memref<1000000xf32, #tpu.memory_space<hbm>>
      %dma_start3A_721 = arith.constant 0 : i32
      %dma_start3A_722 = tpu.memref_slice %dma_start3A_720[%dma_start3A_721] : memref<1000000xf32, #tpu.memory_space<hbm>> -> memref<1000000xf32, #tpu.memory_space<hbm>>
      tpu.enqueue_indirect_dma source(%dma_start3A_722 : memref<1000000xf32, #tpu.memory_space<hbm>>) target(%dma_start3A_714 : memref<128xf32, #tpu.memory_space<vmem>>) offsets(%dma_start3A_717 : memref<128xi32, #tpu.memory_space<vmem>>) semaphore(%arg10 : memref<!tpu.dma_semaphore, #tpu.memory_space<semaphore_mem>>)
      %mul3A_723 = arith.constant 512 : i32
      %mul3A_724 = arith.muli %scan3A_688, %mul3A_723 : i32
      %add3A_725 = arith.constant 256 : i32
      %add3A_726 = arith.addi %mul3A_724, %add3A_725 : i32
      %dma_start3A_727 = tpu.memref_slice %arg7[%add3A_726] : memref<13312xf32, #tpu.memory_space<vmem>> -> memref<128xf32, #tpu.memory_space<vmem>>
      %dma_start3A_728 = arith.constant 256 : i32
      %dma_start3A_729 = tpu.memref_slice %arg6[%scan3A_688, %dma_start3A_728] : memref<26x512xi32, #tpu.memory_space<vmem>> -> memref<1x128xi32, #tpu.memory_space<vmem>>
      %dma_start3A_730 = tpu.memref_squeeze %dma_start3A_729 : memref<1x128xi32, #tpu.memory_space<vmem>> -> memref<128xi32, #tpu.memory_space<vmem>>
      %dma_start3A_731 = arith.constant 0 : i32
      %dma_start3A_732 = tpu.memref_slice %arg3[%scan3A_10, %dma_start3A_731] : memref<1x1000000xf32, #tpu.memory_space<hbm>> -> memref<1x1000000xf32, #tpu.memory_space<hbm>>
      %dma_start3A_733 = tpu.memref_squeeze %dma_start3A_732 : memref<1x1000000xf32, #tpu.memory_space<hbm>> -> memref<1000000xf32, #tpu.memory_space<hbm>>
      %dma_start3A_734 = arith.constant 0 : i32
      %dma_start3A_735 = tpu.memref_slice %dma_start3A_733[%dma_start3A_734] : memref<1000000xf32, #tpu.memory_space<hbm>> -> memref<1000000xf32, #tpu.memory_space<hbm>>
      tpu.enqueue_indirect_dma source(%dma_start3A_735 : memref<1000000xf32, #tpu.memory_space<hbm>>) target(%dma_start3A_727 : memref<128xf32, #tpu.memory_space<vmem>>) offsets(%dma_start3A_730 : memref<128xi32, #tpu.memory_space<vmem>>) semaphore(%arg10 : memref<!tpu.dma_semaphore, #tpu.memory_space<semaphore_mem>>)
      %mul3A_736 = arith.constant 512 : i32
      %mul3A_737 = arith.muli %scan3A_688, %mul3A_736 : i32
      %add3A_738 = arith.constant 384 : i32
      %add3A_739 = arith.addi %mul3A_737, %add3A_738 : i32
      %dma_start3A_740 = tpu.memref_slice %arg7[%add3A_739] : memref<13312xf32, #tpu.memory_space<vmem>> -> memref<128xf32, #tpu.memory_space<vmem>>
      %dma_start3A_741 = arith.constant 384 : i32
      %dma_start3A_742 = tpu.memref_slice %arg6[%scan3A_688, %dma_start3A_741] : memref<26x512xi32, #tpu.memory_space<vmem>> -> memref<1x128xi32, #tpu.memory_space<vmem>>
      %dma_start3A_743 = tpu.memref_squeeze %dma_start3A_742 : memref<1x128xi32, #tpu.memory_space<vmem>> -> memref<128xi32, #tpu.memory_space<vmem>>
      %dma_start3A_744 = arith.constant 0 : i32
      %dma_start3A_745 = tpu.memref_slice %arg3[%scan3A_10, %dma_start3A_744] : memref<1x1000000xf32, #tpu.memory_space<hbm>> -> memref<1x1000000xf32, #tpu.memory_space<hbm>>
      %dma_start3A_746 = tpu.memref_squeeze %dma_start3A_745 : memref<1x1000000xf32, #tpu.memory_space<hbm>> -> memref<1000000xf32, #tpu.memory_space<hbm>>
      %dma_start3A_747 = arith.constant 0 : i32
      %dma_start3A_748 = tpu.memref_slice %dma_start3A_746[%dma_start3A_747] : memref<1000000xf32, #tpu.memory_space<hbm>> -> memref<1000000xf32, #tpu.memory_space<hbm>>
      tpu.enqueue_indirect_dma source(%dma_start3A_748 : memref<1000000xf32, #tpu.memory_space<hbm>>) target(%dma_start3A_740 : memref<128xf32, #tpu.memory_space<vmem>>) offsets(%dma_start3A_743 : memref<128xi32, #tpu.memory_space<vmem>>) semaphore(%arg10 : memref<!tpu.dma_semaphore, #tpu.memory_space<semaphore_mem>>)
    }
    %scan3A_15 = arith.constant 26 : i32
    %scan3A_16 = arith.constant 0 : i32
    %scan3A_17 = arith.constant 0 : i32
    %scan3A_18 = arith.constant 26 : i32
    %scan3A_19 = arith.addi %scan3A_17, %scan3A_18 : i32
    %scan3A_20 = arith.constant 1 : i32
    %scan3A_21:32 = scf.for %scan3A_688 = %scan3A_17 to %scan3A_19 step %scan3A_20 iter_args(%scan3A_689 = %gather3A, %scan3A_690 = %gather3A, %scan3A_691 = %gather3A, %scan3A_692 = %gather3A, %scan3A_693 = %gather3A, %scan3A_694 = %gather3A, %scan3A_695 = %gather3A, %scan3A_696 = %gather3A, %scan3A_697 = %gather3A, %scan3A_698 = %gather3A, %scan3A_699 = %gather3A, %scan3A_700 = %gather3A, %scan3A_701 = %gather3A, %scan3A_702 = %gather3A, %scan3A_703 = %gather3A, %scan3A_704 = %gather3A, %scan3A_705 = %gather3A, %scan3A_706 = %gather3A, %scan3A_707 = %gather3A, %scan3A_708 = %gather3A, %scan3A_709 = %gather3A, %scan3A_710 = %gather3A, %scan3A_711 = %gather3A, %scan3A_712 = %gather3A, %scan3A_713 = %gather3A, %scan3A_714 = %gather3A, %scan3A_715 = %gather3A, %scan3A_716 = %gather3A, %scan3A_717 = %gather3A, %scan3A_718 = %gather3A, %scan3A_719 = %gather3A, %scan3A_720 = %gather3A) -> (vector<16xf32>, vector<16xf32>, vector<16xf32>, vector<16xf32>, vector<16xf32>, vector<16xf32>, vector<16xf32>, vector<16xf32>, vector<16xf32>, vector<16xf32>, vector<16xf32>, vector<16xf32>, vector<16xf32>, vector<16xf32>, vector<16xf32>, vector<16xf32>, vector<16xf32>, vector<16xf32>, vector<16xf32>, vector<16xf32>, vector<16xf32>, vector<16xf32>, vector<16xf32>, vector<16xf32>, vector<16xf32>, vector<16xf32>, vector<16xf32>, vector<16xf32>, vector<16xf32>, vector<16xf32>, vector<16xf32>, vector<16xf32>)  : i32 {
      %mul3A_721 = arith.constant 512 : i32
      %mul3A_722 = arith.muli %scan3A_688, %mul3A_721 : i32
      %add3A_723 = arith.constant 0 : i32
      %add3A_724 = arith.addi %mul3A_722, %add3A_723 : i32
      %dma_wait3A = tpu.memref_slice %arg7[%add3A_724] : memref<13312xf32, #tpu.memory_space<vmem>> -> memref<128xf32, #tpu.memory_space<vmem>>
      %dma_wait3A_725 = arith.constant 0 : i32
      %dma_wait3A_726 = tpu.memref_slice %arg6[%scan3A_688, %dma_wait3A_725] : memref<26x512xi32, #tpu.memory_space<vmem>> -> memref<1x128xi32, #tpu.memory_space<vmem>>
      %dma_wait3A_727 = tpu.memref_squeeze %dma_wait3A_726 : memref<1x128xi32, #tpu.memory_space<vmem>> -> memref<128xi32, #tpu.memory_space<vmem>>
      %dma_wait3A_728 = arith.constant 0 : i32
      %dma_wait3A_729 = tpu.memref_slice %arg3[%scan3A_16, %dma_wait3A_728] : memref<1x1000000xf32, #tpu.memory_space<hbm>> -> memref<1x1000000xf32, #tpu.memory_space<hbm>>
      %dma_wait3A_730 = tpu.memref_squeeze %dma_wait3A_729 : memref<1x1000000xf32, #tpu.memory_space<hbm>> -> memref<1000000xf32, #tpu.memory_space<hbm>>
      %dma_wait3A_731 = arith.constant 0 : i32
      %dma_wait3A_732 = tpu.memref_slice %dma_wait3A_730[%dma_wait3A_731] : memref<1000000xf32, #tpu.memory_space<hbm>> -> memref<1000000xf32, #tpu.memory_space<hbm>>
      tpu.wait_indirect_dma semaphore(%arg10 : memref<!tpu.dma_semaphore, #tpu.memory_space<semaphore_mem>>) src(%dma_wait3A_732 : memref<1000000xf32, #tpu.memory_space<hbm>>) dst(%dma_wait3A : memref<128xf32, #tpu.memory_space<vmem>>)
      %mul3A_733 = arith.constant 512 : i32
      %mul3A_734 = arith.muli %scan3A_688, %mul3A_733 : i32
      %add3A_735 = arith.constant 128 : i32
      %add3A_736 = arith.addi %mul3A_734, %add3A_735 : i32
      %dma_wait3A_737 = tpu.memref_slice %arg7[%add3A_736] : memref<13312xf32, #tpu.memory_space<vmem>> -> memref<128xf32, #tpu.memory_space<vmem>>
      %dma_wait3A_738 = arith.constant 128 : i32
      %dma_wait3A_739 = tpu.memref_slice %arg6[%scan3A_688, %dma_wait3A_738] : memref<26x512xi32, #tpu.memory_space<vmem>> -> memref<1x128xi32, #tpu.memory_space<vmem>>
      %dma_wait3A_740 = tpu.memref_squeeze %dma_wait3A_739 : memref<1x128xi32, #tpu.memory_space<vmem>> -> memref<128xi32, #tpu.memory_space<vmem>>
      %dma_wait3A_741 = arith.constant 0 : i32
      %dma_wait3A_742 = tpu.memref_slice %arg3[%scan3A_16, %dma_wait3A_741] : memref<1x1000000xf32, #tpu.memory_space<hbm>> -> memref<1x1000000xf32, #tpu.memory_space<hbm>>
      %dma_wait3A_743 = tpu.memref_squeeze %dma_wait3A_742 : memref<1x1000000xf32, #tpu.memory_space<hbm>> -> memref<1000000xf32, #tpu.memory_space<hbm>>
      %dma_wait3A_744 = arith.constant 0 : i32
      %dma_wait3A_745 = tpu.memref_slice %dma_wait3A_743[%dma_wait3A_744] : memref<1000000xf32, #tpu.memory_space<hbm>> -> memref<1000000xf32, #tpu.memory_space<hbm>>
      tpu.wait_indirect_dma semaphore(%arg10 : memref<!tpu.dma_semaphore, #tpu.memory_space<semaphore_mem>>) src(%dma_wait3A_745 : memref<1000000xf32, #tpu.memory_space<hbm>>) dst(%dma_wait3A_737 : memref<128xf32, #tpu.memory_space<vmem>>)
      %mul3A_746 = arith.constant 512 : i32
      %mul3A_747 = arith.muli %scan3A_688, %mul3A_746 : i32
      %add3A_748 = arith.constant 256 : i32
      %add3A_749 = arith.addi %mul3A_747, %add3A_748 : i32
      %dma_wait3A_750 = tpu.memref_slice %arg7[%add3A_749] : memref<13312xf32, #tpu.memory_space<vmem>> -> memref<128xf32, #tpu.memory_space<vmem>>
      %dma_wait3A_751 = arith.constant 256 : i32
      %dma_wait3A_752 = tpu.memref_slice %arg6[%scan3A_688, %dma_wait3A_751] : memref<26x512xi32, #tpu.memory_space<vmem>> -> memref<1x128xi32, #tpu.memory_space<vmem>>
      %dma_wait3A_753 = tpu.memref_squeeze %dma_wait3A_752 : memref<1x128xi32, #tpu.memory_space<vmem>> -> memref<128xi32, #tpu.memory_space<vmem>>
      %dma_wait3A_754 = arith.constant 0 : i32
      %dma_wait3A_755 = tpu.memref_slice %arg3[%scan3A_16, %dma_wait3A_754] : memref<1x1000000xf32, #tpu.memory_space<hbm>> -> memref<1x1000000xf32, #tpu.memory_space<hbm>>
      %dma_wait3A_756 = tpu.memref_squeeze %dma_wait3A_755 : memref<1x1000000xf32, #tpu.memory_space<hbm>> -> memref<1000000xf32, #tpu.memory_space<hbm>>
      %dma_wait3A_757 = arith.constant 0 : i32
      %dma_wait3A_758 = tpu.memref_slice %dma_wait3A_756[%dma_wait3A_757] : memref<1000000xf32, #tpu.memory_space<hbm>> -> memref<1000000xf32, #tpu.memory_space<hbm>>
      tpu.wait_indirect_dma semaphore(%arg10 : memref<!tpu.dma_semaphore, #tpu.memory_space<semaphore_mem>>) src(%dma_wait3A_758 : memref<1000000xf32, #tpu.memory_space<hbm>>) dst(%dma_wait3A_750 : memref<128xf32, #tpu.memory_space<vmem>>)
      %mul3A_759 = arith.constant 512 : i32
      %mul3A_760 = arith.muli %scan3A_688, %mul3A_759 : i32
      %add3A_761 = arith.constant 384 : i32
      %add3A_762 = arith.addi %mul3A_760, %add3A_761 : i32
      %dma_wait3A_763 = tpu.memref_slice %arg7[%add3A_762] : memref<13312xf32, #tpu.memory_space<vmem>> -> memref<128xf32, #tpu.memory_space<vmem>>
      %dma_wait3A_764 = arith.constant 384 : i32
      %dma_wait3A_765 = tpu.memref_slice %arg6[%scan3A_688, %dma_wait3A_764] : memref<26x512xi32, #tpu.memory_space<vmem>> -> memref<1x128xi32, #tpu.memory_space<vmem>>
      %dma_wait3A_766 = tpu.memref_squeeze %dma_wait3A_765 : memref<1x128xi32, #tpu.memory_space<vmem>> -> memref<128xi32, #tpu.memory_space<vmem>>
      %dma_wait3A_767 = arith.constant 0 : i32
      %dma_wait3A_768 = tpu.memref_slice %arg3[%scan3A_16, %dma_wait3A_767] : memref<1x1000000xf32, #tpu.memory_space<hbm>> -> memref<1x1000000xf32, #tpu.memory_space<hbm>>
      %dma_wait3A_769 = tpu.memref_squeeze %dma_wait3A_768 : memref<1x1000000xf32, #tpu.memory_space<hbm>> -> memref<1000000xf32, #tpu.memory_space<hbm>>
      %dma_wait3A_770 = arith.constant 0 : i32
      %dma_wait3A_771 = tpu.memref_slice %dma_wait3A_769[%dma_wait3A_770] : memref<1000000xf32, #tpu.memory_space<hbm>> -> memref<1000000xf32, #tpu.memory_space<hbm>>
      tpu.wait_indirect_dma semaphore(%arg10 : memref<!tpu.dma_semaphore, #tpu.memory_space<semaphore_mem>>) src(%dma_wait3A_771 : memref<1000000xf32, #tpu.memory_space<hbm>>) dst(%dma_wait3A_763 : memref<128xf32, #tpu.memory_space<vmem>>)
      %mul3A_772 = arith.constant 512 : i32
      %mul3A_773 = arith.muli %scan3A_688, %mul3A_772 : i32
      %add3A_774 = arith.constant 0 : i32
      %add3A_775 = arith.addi %mul3A_773, %add3A_774 : i32
      %get3A = arith.index_cast %add3A_775 : i32 to index
      %get3A_776 = tpu.vector_load %arg7[%get3A] {strides = array<i32>} : memref<13312xf32, #tpu.memory_space<vmem>>, vector<16xf32>,
      %add3A_777 = arith.addf %scan3A_689, %get3A_776 : vector<16xf32>
      %mul3A_778 = arith.constant 512 : i32
      %mul3A_779 = arith.muli %scan3A_688, %mul3A_778 : i32
      %add3A_780 = arith.constant 16 : i32
      %add3A_781 = arith.addi %mul3A_779, %add3A_780 : i32
      %get3A_782 = arith.index_cast %add3A_781 : i32 to index
      %get3A_783 = tpu.vector_load %arg7[%get3A_782] {strides = array<i32>} : memref<13312xf32, #tpu.memory_space<vmem>>, vector<16xf32>,
      %add3A_784 = arith.addf %scan3A_690, %get3A_783 : vector<16xf32>
      %mul3A_785 = arith.constant 512 : i32
      %mul3A_786 = arith.muli %scan3A_688, %mul3A_785 : i32
      %add3A_787 = arith.constant 32 : i32
      %add3A_788 = arith.addi %mul3A_786, %add3A_787 : i32
      %get3A_789 = arith.index_cast %add3A_788 : i32 to index
      %get3A_790 = tpu.vector_load %arg7[%get3A_789] {strides = array<i32>} : memref<13312xf32, #tpu.memory_space<vmem>>, vector<16xf32>,
      %add3A_791 = arith.addf %scan3A_691, %get3A_790 : vector<16xf32>
      %mul3A_792 = arith.constant 512 : i32
      %mul3A_793 = arith.muli %scan3A_688, %mul3A_792 : i32
      %add3A_794 = arith.constant 48 : i32
      %add3A_795 = arith.addi %mul3A_793, %add3A_794 : i32
      %get3A_796 = arith.index_cast %add3A_795 : i32 to index
      %get3A_797 = tpu.vector_load %arg7[%get3A_796] {strides = array<i32>} : memref<13312xf32, #tpu.memory_space<vmem>>, vector<16xf32>,
      %add3A_798 = arith.addf %scan3A_692, %get3A_797 : vector<16xf32>
      %mul3A_799 = arith.constant 512 : i32
      %mul3A_800 = arith.muli %scan3A_688, %mul3A_799 : i32
      %add3A_801 = arith.constant 64 : i32
      %add3A_802 = arith.addi %mul3A_800, %add3A_801 : i32
      %get3A_803 = arith.index_cast %add3A_802 : i32 to index
      %get3A_804 = tpu.vector_load %arg7[%get3A_803] {strides = array<i32>} : memref<13312xf32, #tpu.memory_space<vmem>>, vector<16xf32>,
      %add3A_805 = arith.addf %scan3A_693, %get3A_804 : vector<16xf32>
      %mul3A_806 = arith.constant 512 : i32
      %mul3A_807 = arith.muli %scan3A_688, %mul3A_806 : i32
      %add3A_808 = arith.constant 80 : i32
      %add3A_809 = arith.addi %mul3A_807, %add3A_808 : i32
      %get3A_810 = arith.index_cast %add3A_809 : i32 to index
      %get3A_811 = tpu.vector_load %arg7[%get3A_810] {strides = array<i32>} : memref<13312xf32, #tpu.memory_space<vmem>>, vector<16xf32>,
      %add3A_812 = arith.addf %scan3A_694, %get3A_811 : vector<16xf32>
      %mul3A_813 = arith.constant 512 : i32
      %mul3A_814 = arith.muli %scan3A_688, %mul3A_813 : i32
      %add3A_815 = arith.constant 96 : i32
      %add3A_816 = arith.addi %mul3A_814, %add3A_815 : i32
      %get3A_817 = arith.index_cast %add3A_816 : i32 to index
      %get3A_818 = tpu.vector_load %arg7[%get3A_817] {strides = array<i32>} : memref<13312xf32, #tpu.memory_space<vmem>>, vector<16xf32>,
      %add3A_819 = arith.addf %scan3A_695, %get3A_818 : vector<16xf32>
      %mul3A_820 = arith.constant 512 : i32
      %mul3A_821 = arith.muli %scan3A_688, %mul3A_820 : i32
      %add3A_822 = arith.constant 112 : i32
      %add3A_823 = arith.addi %mul3A_821, %add3A_822 : i32
      %get3A_824 = arith.index_cast %add3A_823 : i32 to index
      %get3A_825 = tpu.vector_load %arg7[%get3A_824] {strides = array<i32>} : memref<13312xf32, #tpu.memory_space<vmem>>, vector<16xf32>,
      %add3A_826 = arith.addf %scan3A_696, %get3A_825 : vector<16xf32>
      %mul3A_827 = arith.constant 512 : i32
      %mul3A_828 = arith.muli %scan3A_688, %mul3A_827 : i32
      %add3A_829 = arith.constant 128 : i32
      %add3A_830 = arith.addi %mul3A_828, %add3A_829 : i32
      %get3A_831 = arith.index_cast %add3A_830 : i32 to index
      %get3A_832 = tpu.vector_load %arg7[%get3A_831] {strides = array<i32>} : memref<13312xf32, #tpu.memory_space<vmem>>, vector<16xf32>,
      %add3A_833 = arith.addf %scan3A_697, %get3A_832 : vector<16xf32>
      %mul3A_834 = arith.constant 512 : i32
      %mul3A_835 = arith.muli %scan3A_688, %mul3A_834 : i32
      %add3A_836 = arith.constant 144 : i32
      %add3A_837 = arith.addi %mul3A_835, %add3A_836 : i32
      %get3A_838 = arith.index_cast %add3A_837 : i32 to index
      %get3A_839 = tpu.vector_load %arg7[%get3A_838] {strides = array<i32>} : memref<13312xf32, #tpu.memory_space<vmem>>, vector<16xf32>,
      %add3A_840 = arith.addf %scan3A_698, %get3A_839 : vector<16xf32>
      %mul3A_841 = arith.constant 512 : i32
      %mul3A_842 = arith.muli %scan3A_688, %mul3A_841 : i32
      %add3A_843 = arith.constant 160 : i32
      %add3A_844 = arith.addi %mul3A_842, %add3A_843 : i32
      %get3A_845 = arith.index_cast %add3A_844 : i32 to index
      %get3A_846 = tpu.vector_load %arg7[%get3A_845] {strides = array<i32>} : memref<13312xf32, #tpu.memory_space<vmem>>, vector<16xf32>,
      %add3A_847 = arith.addf %scan3A_699, %get3A_846 : vector<16xf32>
      %mul3A_848 = arith.constant 512 : i32
      %mul3A_849 = arith.muli %scan3A_688, %mul3A_848 : i32
      %add3A_850 = arith.constant 176 : i32
      %add3A_851 = arith.addi %mul3A_849, %add3A_850 : i32
      %get3A_852 = arith.index_cast %add3A_851 : i32 to index
      %get3A_853 = tpu.vector_load %arg7[%get3A_852] {strides = array<i32>} : memref<13312xf32, #tpu.memory_space<vmem>>, vector<16xf32>,
      %add3A_854 = arith.addf %scan3A_700, %get3A_853 : vector<16xf32>
      %mul3A_855 = arith.constant 512 : i32
      %mul3A_856 = arith.muli %scan3A_688, %mul3A_855 : i32
      %add3A_857 = arith.constant 192 : i32
      %add3A_858 = arith.addi %mul3A_856, %add3A_857 : i32
      %get3A_859 = arith.index_cast %add3A_858 : i32 to index
      %get3A_860 = tpu.vector_load %arg7[%get3A_859] {strides = array<i32>} : memref<13312xf32, #tpu.memory_space<vmem>>, vector<16xf32>,
      %add3A_861 = arith.addf %scan3A_701, %get3A_860 : vector<16xf32>
      %mul3A_862 = arith.constant 512 : i32
      %mul3A_863 = arith.muli %scan3A_688, %mul3A_862 : i32
      %add3A_864 = arith.constant 208 : i32
      %add3A_865 = arith.addi %mul3A_863, %add3A_864 : i32
      %get3A_866 = arith.index_cast %add3A_865 : i32 to index
      %get3A_867 = tpu.vector_load %arg7[%get3A_866] {strides = array<i32>} : memref<13312xf32, #tpu.memory_space<vmem>>, vector<16xf32>,
      %add3A_868 = arith.addf %scan3A_702, %get3A_867 : vector<16xf32>
      %mul3A_869 = arith.constant 512 : i32
      %mul3A_870 = arith.muli %scan3A_688, %mul3A_869 : i32
      %add3A_871 = arith.constant 224 : i32
      %add3A_872 = arith.addi %mul3A_870, %add3A_871 : i32
      %get3A_873 = arith.index_cast %add3A_872 : i32 to index
      %get3A_874 = tpu.vector_load %arg7[%get3A_873] {strides = array<i32>} : memref<13312xf32, #tpu.memory_space<vmem>>, vector<16xf32>,
      %add3A_875 = arith.addf %scan3A_703, %get3A_874 : vector<16xf32>
      %mul3A_876 = arith.constant 512 : i32
      %mul3A_877 = arith.muli %scan3A_688, %mul3A_876 : i32
      %add3A_878 = arith.constant 240 : i32
      %add3A_879 = arith.addi %mul3A_877, %add3A_878 : i32
      %get3A_880 = arith.index_cast %add3A_879 : i32 to index
      %get3A_881 = tpu.vector_load %arg7[%get3A_880] {strides = array<i32>} : memref<13312xf32, #tpu.memory_space<vmem>>, vector<16xf32>,
      %add3A_882 = arith.addf %scan3A_704, %get3A_881 : vector<16xf32>
      %mul3A_883 = arith.constant 512 : i32
      %mul3A_884 = arith.muli %scan3A_688, %mul3A_883 : i32
      %add3A_885 = arith.constant 256 : i32
      %add3A_886 = arith.addi %mul3A_884, %add3A_885 : i32
      %get3A_887 = arith.index_cast %add3A_886 : i32 to index
      %get3A_888 = tpu.vector_load %arg7[%get3A_887] {strides = array<i32>} : memref<13312xf32, #tpu.memory_space<vmem>>, vector<16xf32>,
      %add3A_889 = arith.addf %scan3A_705, %get3A_888 : vector<16xf32>
      %mul3A_890 = arith.constant 512 : i32
      %mul3A_891 = arith.muli %scan3A_688, %mul3A_890 : i32
      %add3A_892 = arith.constant 272 : i32
      %add3A_893 = arith.addi %mul3A_891, %add3A_892 : i32
      %get3A_894 = arith.index_cast %add3A_893 : i32 to index
      %get3A_895 = tpu.vector_load %arg7[%get3A_894] {strides = array<i32>} : memref<13312xf32, #tpu.memory_space<vmem>>, vector<16xf32>,
      %add3A_896 = arith.addf %scan3A_706, %get3A_895 : vector<16xf32>
      %mul3A_897 = arith.constant 512 : i32
      %mul3A_898 = arith.muli %scan3A_688, %mul3A_897 : i32
      %add3A_899 = arith.constant 288 : i32
      %add3A_900 = arith.addi %mul3A_898, %add3A_899 : i32
      %get3A_901 = arith.index_cast %add3A_900 : i32 to index
      %get3A_902 = tpu.vector_load %arg7[%get3A_901] {strides = array<i32>} : memref<13312xf32, #tpu.memory_space<vmem>>, vector<16xf32>,
      %add3A_903 = arith.addf %scan3A_707, %get3A_902 : vector<16xf32>
      %mul3A_904 = arith.constant 512 : i32
      %mul3A_905 = arith.muli %scan3A_688, %mul3A_904 : i32
      %add3A_906 = arith.constant 304 : i32
      %add3A_907 = arith.addi %mul3A_905, %add3A_906 : i32
      %get3A_908 = arith.index_cast %add3A_907 : i32 to index
      %get3A_909 = tpu.vector_load %arg7[%get3A_908] {strides = array<i32>} : memref<13312xf32, #tpu.memory_space<vmem>>, vector<16xf32>,
      %add3A_910 = arith.addf %scan3A_708, %get3A_909 : vector<16xf32>
      %mul3A_911 = arith.constant 512 : i32
      %mul3A_912 = arith.muli %scan3A_688, %mul3A_911 : i32
      %add3A_913 = arith.constant 320 : i32
      %add3A_914 = arith.addi %mul3A_912, %add3A_913 : i32
      %get3A_915 = arith.index_cast %add3A_914 : i32 to index
      %get3A_916 = tpu.vector_load %arg7[%get3A_915] {strides = array<i32>} : memref<13312xf32, #tpu.memory_space<vmem>>, vector<16xf32>,
      %add3A_917 = arith.addf %scan3A_709, %get3A_916 : vector<16xf32>
      %mul3A_918 = arith.constant 512 : i32
      %mul3A_919 = arith.muli %scan3A_688, %mul3A_918 : i32
      %add3A_920 = arith.constant 336 : i32
      %add3A_921 = arith.addi %mul3A_919, %add3A_920 : i32
      %get3A_922 = arith.index_cast %add3A_921 : i32 to index
      %get3A_923 = tpu.vector_load %arg7[%get3A_922] {strides = array<i32>} : memref<13312xf32, #tpu.memory_space<vmem>>, vector<16xf32>,
      %add3A_924 = arith.addf %scan3A_710, %get3A_923 : vector<16xf32>
      %mul3A_925 = arith.constant 512 : i32
      %mul3A_926 = arith.muli %scan3A_688, %mul3A_925 : i32
      %add3A_927 = arith.constant 352 : i32
      %add3A_928 = arith.addi %mul3A_926, %add3A_927 : i32
      %get3A_929 = arith.index_cast %add3A_928 : i32 to index
      %get3A_930 = tpu.vector_load %arg7[%get3A_929] {strides = array<i32>} : memref<13312xf32, #tpu.memory_space<vmem>>, vector<16xf32>,
      %add3A_931 = arith.addf %scan3A_711, %get3A_930 : vector<16xf32>
      %mul3A_932 = arith.constant 512 : i32
      %mul3A_933 = arith.muli %scan3A_688, %mul3A_932 : i32
      %add3A_934 = arith.constant 368 : i32
      %add3A_935 = arith.addi %mul3A_933, %add3A_934 : i32
      %get3A_936 = arith.index_cast %add3A_935 : i32 to index
      %get3A_937 = tpu.vector_load %arg7[%get3A_936] {strides = array<i32>} : memref<13312xf32, #tpu.memory_space<vmem>>, vector<16xf32>,
      %add3A_938 = arith.addf %scan3A_712, %get3A_937 : vector<16xf32>
      %mul3A_939 = arith.constant 512 : i32
      %mul3A_940 = arith.muli %scan3A_688, %mul3A_939 : i32
      %add3A_941 = arith.constant 384 : i32
      %add3A_942 = arith.addi %mul3A_940, %add3A_941 : i32
      %get3A_943 = arith.index_cast %add3A_942 : i32 to index
      %get3A_944 = tpu.vector_load %arg7[%get3A_943] {strides = array<i32>} : memref<13312xf32, #tpu.memory_space<vmem>>, vector<16xf32>,
      %add3A_945 = arith.addf %scan3A_713, %get3A_944 : vector<16xf32>
      %mul3A_946 = arith.constant 512 : i32
      %mul3A_947 = arith.muli %scan3A_688, %mul3A_946 : i32
      %add3A_948 = arith.constant 400 : i32
      %add3A_949 = arith.addi %mul3A_947, %add3A_948 : i32
      %get3A_950 = arith.index_cast %add3A_949 : i32 to index
      %get3A_951 = tpu.vector_load %arg7[%get3A_950] {strides = array<i32>} : memref<13312xf32, #tpu.memory_space<vmem>>, vector<16xf32>,
      %add3A_952 = arith.addf %scan3A_714, %get3A_951 : vector<16xf32>
      %mul3A_953 = arith.constant 512 : i32
      %mul3A_954 = arith.muli %scan3A_688, %mul3A_953 : i32
      %add3A_955 = arith.constant 416 : i32
      %add3A_956 = arith.addi %mul3A_954, %add3A_955 : i32
      %get3A_957 = arith.index_cast %add3A_956 : i32 to index
      %get3A_958 = tpu.vector_load %arg7[%get3A_957] {strides = array<i32>} : memref<13312xf32, #tpu.memory_space<vmem>>, vector<16xf32>,
      %add3A_959 = arith.addf %scan3A_715, %get3A_958 : vector<16xf32>
      %mul3A_960 = arith.constant 512 : i32
      %mul3A_961 = arith.muli %scan3A_688, %mul3A_960 : i32
      %add3A_962 = arith.constant 432 : i32
      %add3A_963 = arith.addi %mul3A_961, %add3A_962 : i32
      %get3A_964 = arith.index_cast %add3A_963 : i32 to index
      %get3A_965 = tpu.vector_load %arg7[%get3A_964] {strides = array<i32>} : memref<13312xf32, #tpu.memory_space<vmem>>, vector<16xf32>,
      %add3A_966 = arith.addf %scan3A_716, %get3A_965 : vector<16xf32>
      %mul3A_967 = arith.constant 512 : i32
      %mul3A_968 = arith.muli %scan3A_688, %mul3A_967 : i32
      %add3A_969 = arith.constant 448 : i32
      %add3A_970 = arith.addi %mul3A_968, %add3A_969 : i32
      %get3A_971 = arith.index_cast %add3A_970 : i32 to index
      %get3A_972 = tpu.vector_load %arg7[%get3A_971] {strides = array<i32>} : memref<13312xf32, #tpu.memory_space<vmem>>, vector<16xf32>,
      %add3A_973 = arith.addf %scan3A_717, %get3A_972 : vector<16xf32>
      %mul3A_974 = arith.constant 512 : i32
      %mul3A_975 = arith.muli %scan3A_688, %mul3A_974 : i32
      %add3A_976 = arith.constant 464 : i32
      %add3A_977 = arith.addi %mul3A_975, %add3A_976 : i32
      %get3A_978 = arith.index_cast %add3A_977 : i32 to index
      %get3A_979 = tpu.vector_load %arg7[%get3A_978] {strides = array<i32>} : memref<13312xf32, #tpu.memory_space<vmem>>, vector<16xf32>,
      %add3A_980 = arith.addf %scan3A_718, %get3A_979 : vector<16xf32>
      %mul3A_981 = arith.constant 512 : i32
      %mul3A_982 = arith.muli %scan3A_688, %mul3A_981 : i32
      %add3A_983 = arith.constant 480 : i32
      %add3A_984 = arith.addi %mul3A_982, %add3A_983 : i32
      %get3A_985 = arith.index_cast %add3A_984 : i32 to index
      %get3A_986 = tpu.vector_load %arg7[%get3A_985] {strides = array<i32>} : memref<13312xf32, #tpu.memory_space<vmem>>, vector<16xf32>,
      %add3A_987 = arith.addf %scan3A_719, %get3A_986 : vector<16xf32>
      %mul3A_988 = arith.constant 512 : i32
      %mul3A_989 = arith.muli %scan3A_688, %mul3A_988 : i32
      %add3A_990 = arith.constant 496 : i32
      %add3A_991 = arith.addi %mul3A_989, %add3A_990 : i32
      %get3A_992 = arith.index_cast %add3A_991 : i32 to index
      %get3A_993 = tpu.vector_load %arg7[%get3A_992] {strides = array<i32>} : memref<13312xf32, #tpu.memory_space<vmem>>, vector<16xf32>,
      %add3A_994 = arith.addf %scan3A_720, %get3A_993 : vector<16xf32>
      scf.yield %add3A_777, %add3A_784, %add3A_791, %add3A_798, %add3A_805, %add3A_812, %add3A_819, %add3A_826, %add3A_833, %add3A_840, %add3A_847, %add3A_854, %add3A_861, %add3A_868, %add3A_875, %add3A_882, %add3A_889, %add3A_896, %add3A_903, %add3A_910, %add3A_917, %add3A_924, %add3A_931, %add3A_938, %add3A_945, %add3A_952, %add3A_959, %add3A_966, %add3A_973, %add3A_980, %add3A_987, %add3A_994 : vector<16xf32>, vector<16xf32>, vector<16xf32>, vector<16xf32>, vector<16xf32>, vector<16xf32>, vector<16xf32>, vector<16xf32>, vector<16xf32>, vector<16xf32>, vector<16xf32>, vector<16xf32>, vector<16xf32>, vector<16xf32>, vector<16xf32>, vector<16xf32>, vector<16xf32>, vector<16xf32>, vector<16xf32>, vector<16xf32>, vector<16xf32>, vector<16xf32>, vector<16xf32>, vector<16xf32>, vector<16xf32>, vector<16xf32>, vector<16xf32>, vector<16xf32>, vector<16xf32>, vector<16xf32>, vector<16xf32>, vector<16xf32>
    }
    %scan3A_22 = arith.constant 26 : i32
    %abs3A = math.absf %scan3A_21#0 : vector<16xf32>
    %neg3A = arith.constant 0.000000e+00 : f32
    %neg3A_23 = vector.broadcast %neg3A : f32 to vector<16xf32>
    %neg3A_24 = arith.subf %neg3A_23, %abs3A : vector<16xf32>
    %exp3A = math.exp %neg3A_24 : vector<16xf32>
    %ge3A = arith.constant 0.000000e+00 : f32
    %ge3A_25 = vector.broadcast %ge3A : f32 to vector<16xf32>
    %ge3A_26 = arith.cmpf oge, %scan3A_21#0, %ge3A_25 : vector<16xf32>
    %add3A_27 = arith.constant 1.000000e+00 : f32
    %add3A_28 = vector.broadcast %add3A_27 : f32 to vector<16xf32>
    %add3A_29 = arith.addf %add3A_28, %exp3A : vector<16xf32>
    %div3A = arith.constant 1.000000e+00 : f32
    %div3A_30 = vector.broadcast %div3A : f32 to vector<16xf32>
    %div3A_31 = arith.divf %div3A_30, %add3A_29 : vector<16xf32>
    %add3A_32 = arith.constant 1.000000e+00 : f32
    %add3A_33 = vector.broadcast %add3A_32 : f32 to vector<16xf32>
    %add3A_34 = arith.addf %add3A_33, %exp3A : vector<16xf32>
    %div3A_35 = arith.divf %exp3A, %add3A_34 : vector<16xf32>
    %select_n3A = arith.select %ge3A_26, %div3A_31, %div3A_35 : vector<16xi1>, vector<16xf32>
    %swap3A = arith.constant 0 : index
    %swap3A_36 = tpu.vector_load %arg8[%swap3A] {strides = array<i32>} : memref<512xf32, #tpu.memory_space<vmem>>, vector<16xf32>,
    tpu.vector_store %arg8[%swap3A], %select_n3A {strides = array<i32>} : memref<512xf32, #tpu.memory_space<vmem>>, vector<16xf32>,
    %abs3A_37 = math.absf %scan3A_21#1 : vector<16xf32>
    %neg3A_38 = arith.constant 0.000000e+00 : f32
    %neg3A_39 = vector.broadcast %neg3A_38 : f32 to vector<16xf32>
    %neg3A_40 = arith.subf %neg3A_39, %abs3A_37 : vector<16xf32>
    %exp3A_41 = math.exp %neg3A_40 : vector<16xf32>
    %ge3A_42 = arith.constant 0.000000e+00 : f32
    %ge3A_43 = vector.broadcast %ge3A_42 : f32 to vector<16xf32>
    %ge3A_44 = arith.cmpf oge, %scan3A_21#1, %ge3A_43 : vector<16xf32>
    %add3A_45 = arith.constant 1.000000e+00 : f32
    %add3A_46 = vector.broadcast %add3A_45 : f32 to vector<16xf32>
    %add3A_47 = arith.addf %add3A_46, %exp3A_41 : vector<16xf32>
    %div3A_48 = arith.constant 1.000000e+00 : f32
    %div3A_49 = vector.broadcast %div3A_48 : f32 to vector<16xf32>
    %div3A_50 = arith.divf %div3A_49, %add3A_47 : vector<16xf32>
    %add3A_51 = arith.constant 1.000000e+00 : f32
    %add3A_52 = vector.broadcast %add3A_51 : f32 to vector<16xf32>
    %add3A_53 = arith.addf %add3A_52, %exp3A_41 : vector<16xf32>
    %div3A_54 = arith.divf %exp3A_41, %add3A_53 : vector<16xf32>
    %select_n3A_55 = arith.select %ge3A_44, %div3A_50, %div3A_54 : vector<16xi1>, vector<16xf32>
    %swap3A_56 = arith.constant 16 : index
    %swap3A_57 = tpu.vector_load %arg8[%swap3A_56] {strides = array<i32>} : memref<512xf32, #tpu.memory_space<vmem>>, vector<16xf32>,
    tpu.vector_store %arg8[%swap3A_56], %select_n3A_55 {strides = array<i32>} : memref<512xf32, #tpu.memory_space<vmem>>, vector<16xf32>,
    %abs3A_58 = math.absf %scan3A_21#2 : vector<16xf32>
    %neg3A_59 = arith.constant 0.000000e+00 : f32
    %neg3A_60 = vector.broadcast %neg3A_59 : f32 to vector<16xf32>
    %neg3A_61 = arith.subf %neg3A_60, %abs3A_58 : vector<16xf32>
    %exp3A_62 = math.exp %neg3A_61 : vector<16xf32>
    %ge3A_63 = arith.constant 0.000000e+00 : f32
    %ge3A_64 = vector.broadcast %ge3A_63 : f32 to vector<16xf32>
    %ge3A_65 = arith.cmpf oge, %scan3A_21#2, %ge3A_64 : vector<16xf32>
    %add3A_66 = arith.constant 1.000000e+00 : f32
    %add3A_67 = vector.broadcast %add3A_66 : f32 to vector<16xf32>
    %add3A_68 = arith.addf %add3A_67, %exp3A_62 : vector<16xf32>
    %div3A_69 = arith.constant 1.000000e+00 : f32
    %div3A_70 = vector.broadcast %div3A_69 : f32 to vector<16xf32>
    %div3A_71 = arith.divf %div3A_70, %add3A_68 : vector<16xf32>
    %add3A_72 = arith.constant 1.000000e+00 : f32
    %add3A_73 = vector.broadcast %add3A_72 : f32 to vector<16xf32>
    %add3A_74 = arith.addf %add3A_73, %exp3A_62 : vector<16xf32>
    %div3A_75 = arith.divf %exp3A_62, %add3A_74 : vector<16xf32>
    %select_n3A_76 = arith.select %ge3A_65, %div3A_71, %div3A_75 : vector<16xi1>, vector<16xf32>
    %swap3A_77 = arith.constant 32 : index
    %swap3A_78 = tpu.vector_load %arg8[%swap3A_77] {strides = array<i32>} : memref<512xf32, #tpu.memory_space<vmem>>, vector<16xf32>,
    tpu.vector_store %arg8[%swap3A_77], %select_n3A_76 {strides = array<i32>} : memref<512xf32, #tpu.memory_space<vmem>>, vector<16xf32>,
    %abs3A_79 = math.absf %scan3A_21#3 : vector<16xf32>
    %neg3A_80 = arith.constant 0.000000e+00 : f32
    %neg3A_81 = vector.broadcast %neg3A_80 : f32 to vector<16xf32>
    %neg3A_82 = arith.subf %neg3A_81, %abs3A_79 : vector<16xf32>
    %exp3A_83 = math.exp %neg3A_82 : vector<16xf32>
    %ge3A_84 = arith.constant 0.000000e+00 : f32
    %ge3A_85 = vector.broadcast %ge3A_84 : f32 to vector<16xf32>
    %ge3A_86 = arith.cmpf oge, %scan3A_21#3, %ge3A_85 : vector<16xf32>
    %add3A_87 = arith.constant 1.000000e+00 : f32
    %add3A_88 = vector.broadcast %add3A_87 : f32 to vector<16xf32>
    %add3A_89 = arith.addf %add3A_88, %exp3A_83 : vector<16xf32>
    %div3A_90 = arith.constant 1.000000e+00 : f32
    %div3A_91 = vector.broadcast %div3A_90 : f32 to vector<16xf32>
    %div3A_92 = arith.divf %div3A_91, %add3A_89 : vector<16xf32>
    %add3A_93 = arith.constant 1.000000e+00 : f32
    %add3A_94 = vector.broadcast %add3A_93 : f32 to vector<16xf32>
    %add3A_95 = arith.addf %add3A_94, %exp3A_83 : vector<16xf32>
    %div3A_96 = arith.divf %exp3A_83, %add3A_95 : vector<16xf32>
    %select_n3A_97 = arith.select %ge3A_86, %div3A_92, %div3A_96 : vector<16xi1>, vector<16xf32>
    %swap3A_98 = arith.constant 48 : index
    %swap3A_99 = tpu.vector_load %arg8[%swap3A_98] {strides = array<i32>} : memref<512xf32, #tpu.memory_space<vmem>>, vector<16xf32>,
    tpu.vector_store %arg8[%swap3A_98], %select_n3A_97 {strides = array<i32>} : memref<512xf32, #tpu.memory_space<vmem>>, vector<16xf32>,
    %abs3A_100 = math.absf %scan3A_21#4 : vector<16xf32>
    %neg3A_101 = arith.constant 0.000000e+00 : f32
    %neg3A_102 = vector.broadcast %neg3A_101 : f32 to vector<16xf32>
    %neg3A_103 = arith.subf %neg3A_102, %abs3A_100 : vector<16xf32>
    %exp3A_104 = math.exp %neg3A_103 : vector<16xf32>
    %ge3A_105 = arith.constant 0.000000e+00 : f32
    %ge3A_106 = vector.broadcast %ge3A_105 : f32 to vector<16xf32>
    %ge3A_107 = arith.cmpf oge, %scan3A_21#4, %ge3A_106 : vector<16xf32>
    %add3A_108 = arith.constant 1.000000e+00 : f32
    %add3A_109 = vector.broadcast %add3A_108 : f32 to vector<16xf32>
    %add3A_110 = arith.addf %add3A_109, %exp3A_104 : vector<16xf32>
    %div3A_111 = arith.constant 1.000000e+00 : f32
    %div3A_112 = vector.broadcast %div3A_111 : f32 to vector<16xf32>
    %div3A_113 = arith.divf %div3A_112, %add3A_110 : vector<16xf32>
    %add3A_114 = arith.constant 1.000000e+00 : f32
    %add3A_115 = vector.broadcast %add3A_114 : f32 to vector<16xf32>
    %add3A_116 = arith.addf %add3A_115, %exp3A_104 : vector<16xf32>
    %div3A_117 = arith.divf %exp3A_104, %add3A_116 : vector<16xf32>
    %select_n3A_118 = arith.select %ge3A_107, %div3A_113, %div3A_117 : vector<16xi1>, vector<16xf32>
    %swap3A_119 = arith.constant 64 : index
    %swap3A_120 = tpu.vector_load %arg8[%swap3A_119] {strides = array<i32>} : memref<512xf32, #tpu.memory_space<vmem>>, vector<16xf32>,
    tpu.vector_store %arg8[%swap3A_119], %select_n3A_118 {strides = array<i32>} : memref<512xf32, #tpu.memory_space<vmem>>, vector<16xf32>,
    %abs3A_121 = math.absf %scan3A_21#5 : vector<16xf32>
    %neg3A_122 = arith.constant 0.000000e+00 : f32
    %neg3A_123 = vector.broadcast %neg3A_122 : f32 to vector<16xf32>
    %neg3A_124 = arith.subf %neg3A_123, %abs3A_121 : vector<16xf32>
    %exp3A_125 = math.exp %neg3A_124 : vector<16xf32>
    %ge3A_126 = arith.constant 0.000000e+00 : f32
    %ge3A_127 = vector.broadcast %ge3A_126 : f32 to vector<16xf32>
    %ge3A_128 = arith.cmpf oge, %scan3A_21#5, %ge3A_127 : vector<16xf32>
    %add3A_129 = arith.constant 1.000000e+00 : f32
    %add3A_130 = vector.broadcast %add3A_129 : f32 to vector<16xf32>
    %add3A_131 = arith.addf %add3A_130, %exp3A_125 : vector<16xf32>
    %div3A_132 = arith.constant 1.000000e+00 : f32
    %div3A_133 = vector.broadcast %div3A_132 : f32 to vector<16xf32>
    %div3A_134 = arith.divf %div3A_133, %add3A_131 : vector<16xf32>
    %add3A_135 = arith.constant 1.000000e+00 : f32
    %add3A_136 = vector.broadcast %add3A_135 : f32 to vector<16xf32>
    %add3A_137 = arith.addf %add3A_136, %exp3A_125 : vector<16xf32>
    %div3A_138 = arith.divf %exp3A_125, %add3A_137 : vector<16xf32>
    %select_n3A_139 = arith.select %ge3A_128, %div3A_134, %div3A_138 : vector<16xi1>, vector<16xf32>
    %swap3A_140 = arith.constant 80 : index
    %swap3A_141 = tpu.vector_load %arg8[%swap3A_140] {strides = array<i32>} : memref<512xf32, #tpu.memory_space<vmem>>, vector<16xf32>,
    tpu.vector_store %arg8[%swap3A_140], %select_n3A_139 {strides = array<i32>} : memref<512xf32, #tpu.memory_space<vmem>>, vector<16xf32>,
    %abs3A_142 = math.absf %scan3A_21#6 : vector<16xf32>
    %neg3A_143 = arith.constant 0.000000e+00 : f32
    %neg3A_144 = vector.broadcast %neg3A_143 : f32 to vector<16xf32>
    %neg3A_145 = arith.subf %neg3A_144, %abs3A_142 : vector<16xf32>
    %exp3A_146 = math.exp %neg3A_145 : vector<16xf32>
    %ge3A_147 = arith.constant 0.000000e+00 : f32
    %ge3A_148 = vector.broadcast %ge3A_147 : f32 to vector<16xf32>
    %ge3A_149 = arith.cmpf oge, %scan3A_21#6, %ge3A_148 : vector<16xf32>
    %add3A_150 = arith.constant 1.000000e+00 : f32
    %add3A_151 = vector.broadcast %add3A_150 : f32 to vector<16xf32>
    %add3A_152 = arith.addf %add3A_151, %exp3A_146 : vector<16xf32>
    %div3A_153 = arith.constant 1.000000e+00 : f32
    %div3A_154 = vector.broadcast %div3A_153 : f32 to vector<16xf32>
    %div3A_155 = arith.divf %div3A_154, %add3A_152 : vector<16xf32>
    %add3A_156 = arith.constant 1.000000e+00 : f32
    %add3A_157 = vector.broadcast %add3A_156 : f32 to vector<16xf32>
    %add3A_158 = arith.addf %add3A_157, %exp3A_146 : vector<16xf32>
    %div3A_159 = arith.divf %exp3A_146, %add3A_158 : vector<16xf32>
    %select_n3A_160 = arith.select %ge3A_149, %div3A_155, %div3A_159 : vector<16xi1>, vector<16xf32>
    %swap3A_161 = arith.constant 96 : index
    %swap3A_162 = tpu.vector_load %arg8[%swap3A_161] {strides = array<i32>} : memref<512xf32, #tpu.memory_space<vmem>>, vector<16xf32>,
    tpu.vector_store %arg8[%swap3A_161], %select_n3A_160 {strides = array<i32>} : memref<512xf32, #tpu.memory_space<vmem>>, vector<16xf32>,
    %abs3A_163 = math.absf %scan3A_21#7 : vector<16xf32>
    %neg3A_164 = arith.constant 0.000000e+00 : f32
    %neg3A_165 = vector.broadcast %neg3A_164 : f32 to vector<16xf32>
    %neg3A_166 = arith.subf %neg3A_165, %abs3A_163 : vector<16xf32>
    %exp3A_167 = math.exp %neg3A_166 : vector<16xf32>
    %ge3A_168 = arith.constant 0.000000e+00 : f32
    %ge3A_169 = vector.broadcast %ge3A_168 : f32 to vector<16xf32>
    %ge3A_170 = arith.cmpf oge, %scan3A_21#7, %ge3A_169 : vector<16xf32>
    %add3A_171 = arith.constant 1.000000e+00 : f32
    %add3A_172 = vector.broadcast %add3A_171 : f32 to vector<16xf32>
    %add3A_173 = arith.addf %add3A_172, %exp3A_167 : vector<16xf32>
    %div3A_174 = arith.constant 1.000000e+00 : f32
    %div3A_175 = vector.broadcast %div3A_174 : f32 to vector<16xf32>
    %div3A_176 = arith.divf %div3A_175, %add3A_173 : vector<16xf32>
    %add3A_177 = arith.constant 1.000000e+00 : f32
    %add3A_178 = vector.broadcast %add3A_177 : f32 to vector<16xf32>
    %add3A_179 = arith.addf %add3A_178, %exp3A_167 : vector<16xf32>
    %div3A_180 = arith.divf %exp3A_167, %add3A_179 : vector<16xf32>
    %select_n3A_181 = arith.select %ge3A_170, %div3A_176, %div3A_180 : vector<16xi1>, vector<16xf32>
    %swap3A_182 = arith.constant 112 : index
    %swap3A_183 = tpu.vector_load %arg8[%swap3A_182] {strides = array<i32>} : memref<512xf32, #tpu.memory_space<vmem>>, vector<16xf32>,
    tpu.vector_store %arg8[%swap3A_182], %select_n3A_181 {strides = array<i32>} : memref<512xf32, #tpu.memory_space<vmem>>, vector<16xf32>,
    %abs3A_184 = math.absf %scan3A_21#8 : vector<16xf32>
    %neg3A_185 = arith.constant 0.000000e+00 : f32
    %neg3A_186 = vector.broadcast %neg3A_185 : f32 to vector<16xf32>
    %neg3A_187 = arith.subf %neg3A_186, %abs3A_184 : vector<16xf32>
    %exp3A_188 = math.exp %neg3A_187 : vector<16xf32>
    %ge3A_189 = arith.constant 0.000000e+00 : f32
    %ge3A_190 = vector.broadcast %ge3A_189 : f32 to vector<16xf32>
    %ge3A_191 = arith.cmpf oge, %scan3A_21#8, %ge3A_190 : vector<16xf32>
    %add3A_192 = arith.constant 1.000000e+00 : f32
    %add3A_193 = vector.broadcast %add3A_192 : f32 to vector<16xf32>
    %add3A_194 = arith.addf %add3A_193, %exp3A_188 : vector<16xf32>
    %div3A_195 = arith.constant 1.000000e+00 : f32
    %div3A_196 = vector.broadcast %div3A_195 : f32 to vector<16xf32>
    %div3A_197 = arith.divf %div3A_196, %add3A_194 : vector<16xf32>
    %add3A_198 = arith.constant 1.000000e+00 : f32
    %add3A_199 = vector.broadcast %add3A_198 : f32 to vector<16xf32>
    %add3A_200 = arith.addf %add3A_199, %exp3A_188 : vector<16xf32>
    %div3A_201 = arith.divf %exp3A_188, %add3A_200 : vector<16xf32>
    %select_n3A_202 = arith.select %ge3A_191, %div3A_197, %div3A_201 : vector<16xi1>, vector<16xf32>
    %swap3A_203 = arith.constant 128 : index
    %swap3A_204 = tpu.vector_load %arg8[%swap3A_203] {strides = array<i32>} : memref<512xf32, #tpu.memory_space<vmem>>, vector<16xf32>,
    tpu.vector_store %arg8[%swap3A_203], %select_n3A_202 {strides = array<i32>} : memref<512xf32, #tpu.memory_space<vmem>>, vector<16xf32>,
    %abs3A_205 = math.absf %scan3A_21#9 : vector<16xf32>
    %neg3A_206 = arith.constant 0.000000e+00 : f32
    %neg3A_207 = vector.broadcast %neg3A_206 : f32 to vector<16xf32>
    %neg3A_208 = arith.subf %neg3A_207, %abs3A_205 : vector<16xf32>
    %exp3A_209 = math.exp %neg3A_208 : vector<16xf32>
    %ge3A_210 = arith.constant 0.000000e+00 : f32
    %ge3A_211 = vector.broadcast %ge3A_210 : f32 to vector<16xf32>
    %ge3A_212 = arith.cmpf oge, %scan3A_21#9, %ge3A_211 : vector<16xf32>
    %add3A_213 = arith.constant 1.000000e+00 : f32
    %add3A_214 = vector.broadcast %add3A_213 : f32 to vector<16xf32>
    %add3A_215 = arith.addf %add3A_214, %exp3A_209 : vector<16xf32>
    %div3A_216 = arith.constant 1.000000e+00 : f32
    %div3A_217 = vector.broadcast %div3A_216 : f32 to vector<16xf32>
    %div3A_218 = arith.divf %div3A_217, %add3A_215 : vector<16xf32>
    %add3A_219 = arith.constant 1.000000e+00 : f32
    %add3A_220 = vector.broadcast %add3A_219 : f32 to vector<16xf32>
    %add3A_221 = arith.addf %add3A_220, %exp3A_209 : vector<16xf32>
    %div3A_222 = arith.divf %exp3A_209, %add3A_221 : vector<16xf32>
    %select_n3A_223 = arith.select %ge3A_212, %div3A_218, %div3A_222 : vector<16xi1>, vector<16xf32>
    %swap3A_224 = arith.constant 144 : index
    %swap3A_225 = tpu.vector_load %arg8[%swap3A_224] {strides = array<i32>} : memref<512xf32, #tpu.memory_space<vmem>>, vector<16xf32>,
    tpu.vector_store %arg8[%swap3A_224], %select_n3A_223 {strides = array<i32>} : memref<512xf32, #tpu.memory_space<vmem>>, vector<16xf32>,
    %abs3A_226 = math.absf %scan3A_21#10 : vector<16xf32>
    %neg3A_227 = arith.constant 0.000000e+00 : f32
    %neg3A_228 = vector.broadcast %neg3A_227 : f32 to vector<16xf32>
    %neg3A_229 = arith.subf %neg3A_228, %abs3A_226 : vector<16xf32>
    %exp3A_230 = math.exp %neg3A_229 : vector<16xf32>
    %ge3A_231 = arith.constant 0.000000e+00 : f32
    %ge3A_232 = vector.broadcast %ge3A_231 : f32 to vector<16xf32>
    %ge3A_233 = arith.cmpf oge, %scan3A_21#10, %ge3A_232 : vector<16xf32>
    %add3A_234 = arith.constant 1.000000e+00 : f32
    %add3A_235 = vector.broadcast %add3A_234 : f32 to vector<16xf32>
    %add3A_236 = arith.addf %add3A_235, %exp3A_230 : vector<16xf32>
    %div3A_237 = arith.constant 1.000000e+00 : f32
    %div3A_238 = vector.broadcast %div3A_237 : f32 to vector<16xf32>
    %div3A_239 = arith.divf %div3A_238, %add3A_236 : vector<16xf32>
    %add3A_240 = arith.constant 1.000000e+00 : f32
    %add3A_241 = vector.broadcast %add3A_240 : f32 to vector<16xf32>
    %add3A_242 = arith.addf %add3A_241, %exp3A_230 : vector<16xf32>
    %div3A_243 = arith.divf %exp3A_230, %add3A_242 : vector<16xf32>
    %select_n3A_244 = arith.select %ge3A_233, %div3A_239, %div3A_243 : vector<16xi1>, vector<16xf32>
    %swap3A_245 = arith.constant 160 : index
    %swap3A_246 = tpu.vector_load %arg8[%swap3A_245] {strides = array<i32>} : memref<512xf32, #tpu.memory_space<vmem>>, vector<16xf32>,
    tpu.vector_store %arg8[%swap3A_245], %select_n3A_244 {strides = array<i32>} : memref<512xf32, #tpu.memory_space<vmem>>, vector<16xf32>,
    %abs3A_247 = math.absf %scan3A_21#11 : vector<16xf32>
    %neg3A_248 = arith.constant 0.000000e+00 : f32
    %neg3A_249 = vector.broadcast %neg3A_248 : f32 to vector<16xf32>
    %neg3A_250 = arith.subf %neg3A_249, %abs3A_247 : vector<16xf32>
    %exp3A_251 = math.exp %neg3A_250 : vector<16xf32>
    %ge3A_252 = arith.constant 0.000000e+00 : f32
    %ge3A_253 = vector.broadcast %ge3A_252 : f32 to vector<16xf32>
    %ge3A_254 = arith.cmpf oge, %scan3A_21#11, %ge3A_253 : vector<16xf32>
    %add3A_255 = arith.constant 1.000000e+00 : f32
    %add3A_256 = vector.broadcast %add3A_255 : f32 to vector<16xf32>
    %add3A_257 = arith.addf %add3A_256, %exp3A_251 : vector<16xf32>
    %div3A_258 = arith.constant 1.000000e+00 : f32
    %div3A_259 = vector.broadcast %div3A_258 : f32 to vector<16xf32>
    %div3A_260 = arith.divf %div3A_259, %add3A_257 : vector<16xf32>
    %add3A_261 = arith.constant 1.000000e+00 : f32
    %add3A_262 = vector.broadcast %add3A_261 : f32 to vector<16xf32>
    %add3A_263 = arith.addf %add3A_262, %exp3A_251 : vector<16xf32>
    %div3A_264 = arith.divf %exp3A_251, %add3A_263 : vector<16xf32>
    %select_n3A_265 = arith.select %ge3A_254, %div3A_260, %div3A_264 : vector<16xi1>, vector<16xf32>
    %swap3A_266 = arith.constant 176 : index
    %swap3A_267 = tpu.vector_load %arg8[%swap3A_266] {strides = array<i32>} : memref<512xf32, #tpu.memory_space<vmem>>, vector<16xf32>,
    tpu.vector_store %arg8[%swap3A_266], %select_n3A_265 {strides = array<i32>} : memref<512xf32, #tpu.memory_space<vmem>>, vector<16xf32>,
    %abs3A_268 = math.absf %scan3A_21#12 : vector<16xf32>
    %neg3A_269 = arith.constant 0.000000e+00 : f32
    %neg3A_270 = vector.broadcast %neg3A_269 : f32 to vector<16xf32>
    %neg3A_271 = arith.subf %neg3A_270, %abs3A_268 : vector<16xf32>
    %exp3A_272 = math.exp %neg3A_271 : vector<16xf32>
    %ge3A_273 = arith.constant 0.000000e+00 : f32
    %ge3A_274 = vector.broadcast %ge3A_273 : f32 to vector<16xf32>
    %ge3A_275 = arith.cmpf oge, %scan3A_21#12, %ge3A_274 : vector<16xf32>
    %add3A_276 = arith.constant 1.000000e+00 : f32
    %add3A_277 = vector.broadcast %add3A_276 : f32 to vector<16xf32>
    %add3A_278 = arith.addf %add3A_277, %exp3A_272 : vector<16xf32>
    %div3A_279 = arith.constant 1.000000e+00 : f32
    %div3A_280 = vector.broadcast %div3A_279 : f32 to vector<16xf32>
    %div3A_281 = arith.divf %div3A_280, %add3A_278 : vector<16xf32>
    %add3A_282 = arith.constant 1.000000e+00 : f32
    %add3A_283 = vector.broadcast %add3A_282 : f32 to vector<16xf32>
    %add3A_284 = arith.addf %add3A_283, %exp3A_272 : vector<16xf32>
    %div3A_285 = arith.divf %exp3A_272, %add3A_284 : vector<16xf32>
    %select_n3A_286 = arith.select %ge3A_275, %div3A_281, %div3A_285 : vector<16xi1>, vector<16xf32>
    %swap3A_287 = arith.constant 192 : index
    %swap3A_288 = tpu.vector_load %arg8[%swap3A_287] {strides = array<i32>} : memref<512xf32, #tpu.memory_space<vmem>>, vector<16xf32>,
    tpu.vector_store %arg8[%swap3A_287], %select_n3A_286 {strides = array<i32>} : memref<512xf32, #tpu.memory_space<vmem>>, vector<16xf32>,
    %abs3A_289 = math.absf %scan3A_21#13 : vector<16xf32>
    %neg3A_290 = arith.constant 0.000000e+00 : f32
    %neg3A_291 = vector.broadcast %neg3A_290 : f32 to vector<16xf32>
    %neg3A_292 = arith.subf %neg3A_291, %abs3A_289 : vector<16xf32>
    %exp3A_293 = math.exp %neg3A_292 : vector<16xf32>
    %ge3A_294 = arith.constant 0.000000e+00 : f32
    %ge3A_295 = vector.broadcast %ge3A_294 : f32 to vector<16xf32>
    %ge3A_296 = arith.cmpf oge, %scan3A_21#13, %ge3A_295 : vector<16xf32>
    %add3A_297 = arith.constant 1.000000e+00 : f32
    %add3A_298 = vector.broadcast %add3A_297 : f32 to vector<16xf32>
    %add3A_299 = arith.addf %add3A_298, %exp3A_293 : vector<16xf32>
    %div3A_300 = arith.constant 1.000000e+00 : f32
    %div3A_301 = vector.broadcast %div3A_300 : f32 to vector<16xf32>
    %div3A_302 = arith.divf %div3A_301, %add3A_299 : vector<16xf32>
    %add3A_303 = arith.constant 1.000000e+00 : f32
    %add3A_304 = vector.broadcast %add3A_303 : f32 to vector<16xf32>
    %add3A_305 = arith.addf %add3A_304, %exp3A_293 : vector<16xf32>
    %div3A_306 = arith.divf %exp3A_293, %add3A_305 : vector<16xf32>
    %select_n3A_307 = arith.select %ge3A_296, %div3A_302, %div3A_306 : vector<16xi1>, vector<16xf32>
    %swap3A_308 = arith.constant 208 : index
    %swap3A_309 = tpu.vector_load %arg8[%swap3A_308] {strides = array<i32>} : memref<512xf32, #tpu.memory_space<vmem>>, vector<16xf32>,
    tpu.vector_store %arg8[%swap3A_308], %select_n3A_307 {strides = array<i32>} : memref<512xf32, #tpu.memory_space<vmem>>, vector<16xf32>,
    %abs3A_310 = math.absf %scan3A_21#14 : vector<16xf32>
    %neg3A_311 = arith.constant 0.000000e+00 : f32
    %neg3A_312 = vector.broadcast %neg3A_311 : f32 to vector<16xf32>
    %neg3A_313 = arith.subf %neg3A_312, %abs3A_310 : vector<16xf32>
    %exp3A_314 = math.exp %neg3A_313 : vector<16xf32>
    %ge3A_315 = arith.constant 0.000000e+00 : f32
    %ge3A_316 = vector.broadcast %ge3A_315 : f32 to vector<16xf32>
    %ge3A_317 = arith.cmpf oge, %scan3A_21#14, %ge3A_316 : vector<16xf32>
    %add3A_318 = arith.constant 1.000000e+00 : f32
    %add3A_319 = vector.broadcast %add3A_318 : f32 to vector<16xf32>
    %add3A_320 = arith.addf %add3A_319, %exp3A_314 : vector<16xf32>
    %div3A_321 = arith.constant 1.000000e+00 : f32
    %div3A_322 = vector.broadcast %div3A_321 : f32 to vector<16xf32>
    %div3A_323 = arith.divf %div3A_322, %add3A_320 : vector<16xf32>
    %add3A_324 = arith.constant 1.000000e+00 : f32
    %add3A_325 = vector.broadcast %add3A_324 : f32 to vector<16xf32>
    %add3A_326 = arith.addf %add3A_325, %exp3A_314 : vector<16xf32>
    %div3A_327 = arith.divf %exp3A_314, %add3A_326 : vector<16xf32>
    %select_n3A_328 = arith.select %ge3A_317, %div3A_323, %div3A_327 : vector<16xi1>, vector<16xf32>
    %swap3A_329 = arith.constant 224 : index
    %swap3A_330 = tpu.vector_load %arg8[%swap3A_329] {strides = array<i32>} : memref<512xf32, #tpu.memory_space<vmem>>, vector<16xf32>,
    tpu.vector_store %arg8[%swap3A_329], %select_n3A_328 {strides = array<i32>} : memref<512xf32, #tpu.memory_space<vmem>>, vector<16xf32>,
    %abs3A_331 = math.absf %scan3A_21#15 : vector<16xf32>
    %neg3A_332 = arith.constant 0.000000e+00 : f32
    %neg3A_333 = vector.broadcast %neg3A_332 : f32 to vector<16xf32>
    %neg3A_334 = arith.subf %neg3A_333, %abs3A_331 : vector<16xf32>
    %exp3A_335 = math.exp %neg3A_334 : vector<16xf32>
    %ge3A_336 = arith.constant 0.000000e+00 : f32
    %ge3A_337 = vector.broadcast %ge3A_336 : f32 to vector<16xf32>
    %ge3A_338 = arith.cmpf oge, %scan3A_21#15, %ge3A_337 : vector<16xf32>
    %add3A_339 = arith.constant 1.000000e+00 : f32
    %add3A_340 = vector.broadcast %add3A_339 : f32 to vector<16xf32>
    %add3A_341 = arith.addf %add3A_340, %exp3A_335 : vector<16xf32>
    %div3A_342 = arith.constant 1.000000e+00 : f32
    %div3A_343 = vector.broadcast %div3A_342 : f32 to vector<16xf32>
    %div3A_344 = arith.divf %div3A_343, %add3A_341 : vector<16xf32>
    %add3A_345 = arith.constant 1.000000e+00 : f32
    %add3A_346 = vector.broadcast %add3A_345 : f32 to vector<16xf32>
    %add3A_347 = arith.addf %add3A_346, %exp3A_335 : vector<16xf32>
    %div3A_348 = arith.divf %exp3A_335, %add3A_347 : vector<16xf32>
    %select_n3A_349 = arith.select %ge3A_338, %div3A_344, %div3A_348 : vector<16xi1>, vector<16xf32>
    %swap3A_350 = arith.constant 240 : index
    %swap3A_351 = tpu.vector_load %arg8[%swap3A_350] {strides = array<i32>} : memref<512xf32, #tpu.memory_space<vmem>>, vector<16xf32>,
    tpu.vector_store %arg8[%swap3A_350], %select_n3A_349 {strides = array<i32>} : memref<512xf32, #tpu.memory_space<vmem>>, vector<16xf32>,
    %abs3A_352 = math.absf %scan3A_21#16 : vector<16xf32>
    %neg3A_353 = arith.constant 0.000000e+00 : f32
    %neg3A_354 = vector.broadcast %neg3A_353 : f32 to vector<16xf32>
    %neg3A_355 = arith.subf %neg3A_354, %abs3A_352 : vector<16xf32>
    %exp3A_356 = math.exp %neg3A_355 : vector<16xf32>
    %ge3A_357 = arith.constant 0.000000e+00 : f32
    %ge3A_358 = vector.broadcast %ge3A_357 : f32 to vector<16xf32>
    %ge3A_359 = arith.cmpf oge, %scan3A_21#16, %ge3A_358 : vector<16xf32>
    %add3A_360 = arith.constant 1.000000e+00 : f32
    %add3A_361 = vector.broadcast %add3A_360 : f32 to vector<16xf32>
    %add3A_362 = arith.addf %add3A_361, %exp3A_356 : vector<16xf32>
    %div3A_363 = arith.constant 1.000000e+00 : f32
    %div3A_364 = vector.broadcast %div3A_363 : f32 to vector<16xf32>
    %div3A_365 = arith.divf %div3A_364, %add3A_362 : vector<16xf32>
    %add3A_366 = arith.constant 1.000000e+00 : f32
    %add3A_367 = vector.broadcast %add3A_366 : f32 to vector<16xf32>
    %add3A_368 = arith.addf %add3A_367, %exp3A_356 : vector<16xf32>
    %div3A_369 = arith.divf %exp3A_356, %add3A_368 : vector<16xf32>
    %select_n3A_370 = arith.select %ge3A_359, %div3A_365, %div3A_369 : vector<16xi1>, vector<16xf32>
    %swap3A_371 = arith.constant 256 : index
    %swap3A_372 = tpu.vector_load %arg8[%swap3A_371] {strides = array<i32>} : memref<512xf32, #tpu.memory_space<vmem>>, vector<16xf32>,
    tpu.vector_store %arg8[%swap3A_371], %select_n3A_370 {strides = array<i32>} : memref<512xf32, #tpu.memory_space<vmem>>, vector<16xf32>,
    %abs3A_373 = math.absf %scan3A_21#17 : vector<16xf32>
    %neg3A_374 = arith.constant 0.000000e+00 : f32
    %neg3A_375 = vector.broadcast %neg3A_374 : f32 to vector<16xf32>
    %neg3A_376 = arith.subf %neg3A_375, %abs3A_373 : vector<16xf32>
    %exp3A_377 = math.exp %neg3A_376 : vector<16xf32>
    %ge3A_378 = arith.constant 0.000000e+00 : f32
    %ge3A_379 = vector.broadcast %ge3A_378 : f32 to vector<16xf32>
    %ge3A_380 = arith.cmpf oge, %scan3A_21#17, %ge3A_379 : vector<16xf32>
    %add3A_381 = arith.constant 1.000000e+00 : f32
    %add3A_382 = vector.broadcast %add3A_381 : f32 to vector<16xf32>
    %add3A_383 = arith.addf %add3A_382, %exp3A_377 : vector<16xf32>
    %div3A_384 = arith.constant 1.000000e+00 : f32
    %div3A_385 = vector.broadcast %div3A_384 : f32 to vector<16xf32>
    %div3A_386 = arith.divf %div3A_385, %add3A_383 : vector<16xf32>
    %add3A_387 = arith.constant 1.000000e+00 : f32
    %add3A_388 = vector.broadcast %add3A_387 : f32 to vector<16xf32>
    %add3A_389 = arith.addf %add3A_388, %exp3A_377 : vector<16xf32>
    %div3A_390 = arith.divf %exp3A_377, %add3A_389 : vector<16xf32>
    %select_n3A_391 = arith.select %ge3A_380, %div3A_386, %div3A_390 : vector<16xi1>, vector<16xf32>
    %swap3A_392 = arith.constant 272 : index
    %swap3A_393 = tpu.vector_load %arg8[%swap3A_392] {strides = array<i32>} : memref<512xf32, #tpu.memory_space<vmem>>, vector<16xf32>,
    tpu.vector_store %arg8[%swap3A_392], %select_n3A_391 {strides = array<i32>} : memref<512xf32, #tpu.memory_space<vmem>>, vector<16xf32>,
    %abs3A_394 = math.absf %scan3A_21#18 : vector<16xf32>
    %neg3A_395 = arith.constant 0.000000e+00 : f32
    %neg3A_396 = vector.broadcast %neg3A_395 : f32 to vector<16xf32>
    %neg3A_397 = arith.subf %neg3A_396, %abs3A_394 : vector<16xf32>
    %exp3A_398 = math.exp %neg3A_397 : vector<16xf32>
    %ge3A_399 = arith.constant 0.000000e+00 : f32
    %ge3A_400 = vector.broadcast %ge3A_399 : f32 to vector<16xf32>
    %ge3A_401 = arith.cmpf oge, %scan3A_21#18, %ge3A_400 : vector<16xf32>
    %add3A_402 = arith.constant 1.000000e+00 : f32
    %add3A_403 = vector.broadcast %add3A_402 : f32 to vector<16xf32>
    %add3A_404 = arith.addf %add3A_403, %exp3A_398 : vector<16xf32>
    %div3A_405 = arith.constant 1.000000e+00 : f32
    %div3A_406 = vector.broadcast %div3A_405 : f32 to vector<16xf32>
    %div3A_407 = arith.divf %div3A_406, %add3A_404 : vector<16xf32>
    %add3A_408 = arith.constant 1.000000e+00 : f32
    %add3A_409 = vector.broadcast %add3A_408 : f32 to vector<16xf32>
    %add3A_410 = arith.addf %add3A_409, %exp3A_398 : vector<16xf32>
    %div3A_411 = arith.divf %exp3A_398, %add3A_410 : vector<16xf32>
    %select_n3A_412 = arith.select %ge3A_401, %div3A_407, %div3A_411 : vector<16xi1>, vector<16xf32>
    %swap3A_413 = arith.constant 288 : index
    %swap3A_414 = tpu.vector_load %arg8[%swap3A_413] {strides = array<i32>} : memref<512xf32, #tpu.memory_space<vmem>>, vector<16xf32>,
    tpu.vector_store %arg8[%swap3A_413], %select_n3A_412 {strides = array<i32>} : memref<512xf32, #tpu.memory_space<vmem>>, vector<16xf32>,
    %abs3A_415 = math.absf %scan3A_21#19 : vector<16xf32>
    %neg3A_416 = arith.constant 0.000000e+00 : f32
    %neg3A_417 = vector.broadcast %neg3A_416 : f32 to vector<16xf32>
    %neg3A_418 = arith.subf %neg3A_417, %abs3A_415 : vector<16xf32>
    %exp3A_419 = math.exp %neg3A_418 : vector<16xf32>
    %ge3A_420 = arith.constant 0.000000e+00 : f32
    %ge3A_421 = vector.broadcast %ge3A_420 : f32 to vector<16xf32>
    %ge3A_422 = arith.cmpf oge, %scan3A_21#19, %ge3A_421 : vector<16xf32>
    %add3A_423 = arith.constant 1.000000e+00 : f32
    %add3A_424 = vector.broadcast %add3A_423 : f32 to vector<16xf32>
    %add3A_425 = arith.addf %add3A_424, %exp3A_419 : vector<16xf32>
    %div3A_426 = arith.constant 1.000000e+00 : f32
    %div3A_427 = vector.broadcast %div3A_426 : f32 to vector<16xf32>
    %div3A_428 = arith.divf %div3A_427, %add3A_425 : vector<16xf32>
    %add3A_429 = arith.constant 1.000000e+00 : f32
    %add3A_430 = vector.broadcast %add3A_429 : f32 to vector<16xf32>
    %add3A_431 = arith.addf %add3A_430, %exp3A_419 : vector<16xf32>
    %div3A_432 = arith.divf %exp3A_419, %add3A_431 : vector<16xf32>
    %select_n3A_433 = arith.select %ge3A_422, %div3A_428, %div3A_432 : vector<16xi1>, vector<16xf32>
    %swap3A_434 = arith.constant 304 : index
    %swap3A_435 = tpu.vector_load %arg8[%swap3A_434] {strides = array<i32>} : memref<512xf32, #tpu.memory_space<vmem>>, vector<16xf32>,
    tpu.vector_store %arg8[%swap3A_434], %select_n3A_433 {strides = array<i32>} : memref<512xf32, #tpu.memory_space<vmem>>, vector<16xf32>,
    %abs3A_436 = math.absf %scan3A_21#20 : vector<16xf32>
    %neg3A_437 = arith.constant 0.000000e+00 : f32
    %neg3A_438 = vector.broadcast %neg3A_437 : f32 to vector<16xf32>
    %neg3A_439 = arith.subf %neg3A_438, %abs3A_436 : vector<16xf32>
    %exp3A_440 = math.exp %neg3A_439 : vector<16xf32>
    %ge3A_441 = arith.constant 0.000000e+00 : f32
    %ge3A_442 = vector.broadcast %ge3A_441 : f32 to vector<16xf32>
    %ge3A_443 = arith.cmpf oge, %scan3A_21#20, %ge3A_442 : vector<16xf32>
    %add3A_444 = arith.constant 1.000000e+00 : f32
    %add3A_445 = vector.broadcast %add3A_444 : f32 to vector<16xf32>
    %add3A_446 = arith.addf %add3A_445, %exp3A_440 : vector<16xf32>
    %div3A_447 = arith.constant 1.000000e+00 : f32
    %div3A_448 = vector.broadcast %div3A_447 : f32 to vector<16xf32>
    %div3A_449 = arith.divf %div3A_448, %add3A_446 : vector<16xf32>
    %add3A_450 = arith.constant 1.000000e+00 : f32
    %add3A_451 = vector.broadcast %add3A_450 : f32 to vector<16xf32>
    %add3A_452 = arith.addf %add3A_451, %exp3A_440 : vector<16xf32>
    %div3A_453 = arith.divf %exp3A_440, %add3A_452 : vector<16xf32>
    %select_n3A_454 = arith.select %ge3A_443, %div3A_449, %div3A_453 : vector<16xi1>, vector<16xf32>
    %swap3A_455 = arith.constant 320 : index
    %swap3A_456 = tpu.vector_load %arg8[%swap3A_455] {strides = array<i32>} : memref<512xf32, #tpu.memory_space<vmem>>, vector<16xf32>,
    tpu.vector_store %arg8[%swap3A_455], %select_n3A_454 {strides = array<i32>} : memref<512xf32, #tpu.memory_space<vmem>>, vector<16xf32>,
    %abs3A_457 = math.absf %scan3A_21#21 : vector<16xf32>
    %neg3A_458 = arith.constant 0.000000e+00 : f32
    %neg3A_459 = vector.broadcast %neg3A_458 : f32 to vector<16xf32>
    %neg3A_460 = arith.subf %neg3A_459, %abs3A_457 : vector<16xf32>
    %exp3A_461 = math.exp %neg3A_460 : vector<16xf32>
    %ge3A_462 = arith.constant 0.000000e+00 : f32
    %ge3A_463 = vector.broadcast %ge3A_462 : f32 to vector<16xf32>
    %ge3A_464 = arith.cmpf oge, %scan3A_21#21, %ge3A_463 : vector<16xf32>
    %add3A_465 = arith.constant 1.000000e+00 : f32
    %add3A_466 = vector.broadcast %add3A_465 : f32 to vector<16xf32>
    %add3A_467 = arith.addf %add3A_466, %exp3A_461 : vector<16xf32>
    %div3A_468 = arith.constant 1.000000e+00 : f32
    %div3A_469 = vector.broadcast %div3A_468 : f32 to vector<16xf32>
    %div3A_470 = arith.divf %div3A_469, %add3A_467 : vector<16xf32>
    %add3A_471 = arith.constant 1.000000e+00 : f32
    %add3A_472 = vector.broadcast %add3A_471 : f32 to vector<16xf32>
    %add3A_473 = arith.addf %add3A_472, %exp3A_461 : vector<16xf32>
    %div3A_474 = arith.divf %exp3A_461, %add3A_473 : vector<16xf32>
    %select_n3A_475 = arith.select %ge3A_464, %div3A_470, %div3A_474 : vector<16xi1>, vector<16xf32>
    %swap3A_476 = arith.constant 336 : index
    %swap3A_477 = tpu.vector_load %arg8[%swap3A_476] {strides = array<i32>} : memref<512xf32, #tpu.memory_space<vmem>>, vector<16xf32>,
    tpu.vector_store %arg8[%swap3A_476], %select_n3A_475 {strides = array<i32>} : memref<512xf32, #tpu.memory_space<vmem>>, vector<16xf32>,
    %abs3A_478 = math.absf %scan3A_21#22 : vector<16xf32>
    %neg3A_479 = arith.constant 0.000000e+00 : f32
    %neg3A_480 = vector.broadcast %neg3A_479 : f32 to vector<16xf32>
    %neg3A_481 = arith.subf %neg3A_480, %abs3A_478 : vector<16xf32>
    %exp3A_482 = math.exp %neg3A_481 : vector<16xf32>
    %ge3A_483 = arith.constant 0.000000e+00 : f32
    %ge3A_484 = vector.broadcast %ge3A_483 : f32 to vector<16xf32>
    %ge3A_485 = arith.cmpf oge, %scan3A_21#22, %ge3A_484 : vector<16xf32>
    %add3A_486 = arith.constant 1.000000e+00 : f32
    %add3A_487 = vector.broadcast %add3A_486 : f32 to vector<16xf32>
    %add3A_488 = arith.addf %add3A_487, %exp3A_482 : vector<16xf32>
    %div3A_489 = arith.constant 1.000000e+00 : f32
    %div3A_490 = vector.broadcast %div3A_489 : f32 to vector<16xf32>
    %div3A_491 = arith.divf %div3A_490, %add3A_488 : vector<16xf32>
    %add3A_492 = arith.constant 1.000000e+00 : f32
    %add3A_493 = vector.broadcast %add3A_492 : f32 to vector<16xf32>
    %add3A_494 = arith.addf %add3A_493, %exp3A_482 : vector<16xf32>
    %div3A_495 = arith.divf %exp3A_482, %add3A_494 : vector<16xf32>
    %select_n3A_496 = arith.select %ge3A_485, %div3A_491, %div3A_495 : vector<16xi1>, vector<16xf32>
    %swap3A_497 = arith.constant 352 : index
    %swap3A_498 = tpu.vector_load %arg8[%swap3A_497] {strides = array<i32>} : memref<512xf32, #tpu.memory_space<vmem>>, vector<16xf32>,
    tpu.vector_store %arg8[%swap3A_497], %select_n3A_496 {strides = array<i32>} : memref<512xf32, #tpu.memory_space<vmem>>, vector<16xf32>,
    %abs3A_499 = math.absf %scan3A_21#23 : vector<16xf32>
    %neg3A_500 = arith.constant 0.000000e+00 : f32
    %neg3A_501 = vector.broadcast %neg3A_500 : f32 to vector<16xf32>
    %neg3A_502 = arith.subf %neg3A_501, %abs3A_499 : vector<16xf32>
    %exp3A_503 = math.exp %neg3A_502 : vector<16xf32>
    %ge3A_504 = arith.constant 0.000000e+00 : f32
    %ge3A_505 = vector.broadcast %ge3A_504 : f32 to vector<16xf32>
    %ge3A_506 = arith.cmpf oge, %scan3A_21#23, %ge3A_505 : vector<16xf32>
    %add3A_507 = arith.constant 1.000000e+00 : f32
    %add3A_508 = vector.broadcast %add3A_507 : f32 to vector<16xf32>
    %add3A_509 = arith.addf %add3A_508, %exp3A_503 : vector<16xf32>
    %div3A_510 = arith.constant 1.000000e+00 : f32
    %div3A_511 = vector.broadcast %div3A_510 : f32 to vector<16xf32>
    %div3A_512 = arith.divf %div3A_511, %add3A_509 : vector<16xf32>
    %add3A_513 = arith.constant 1.000000e+00 : f32
    %add3A_514 = vector.broadcast %add3A_513 : f32 to vector<16xf32>
    %add3A_515 = arith.addf %add3A_514, %exp3A_503 : vector<16xf32>
    %div3A_516 = arith.divf %exp3A_503, %add3A_515 : vector<16xf32>
    %select_n3A_517 = arith.select %ge3A_506, %div3A_512, %div3A_516 : vector<16xi1>, vector<16xf32>
    %swap3A_518 = arith.constant 368 : index
    %swap3A_519 = tpu.vector_load %arg8[%swap3A_518] {strides = array<i32>} : memref<512xf32, #tpu.memory_space<vmem>>, vector<16xf32>,
    tpu.vector_store %arg8[%swap3A_518], %select_n3A_517 {strides = array<i32>} : memref<512xf32, #tpu.memory_space<vmem>>, vector<16xf32>,
    %abs3A_520 = math.absf %scan3A_21#24 : vector<16xf32>
    %neg3A_521 = arith.constant 0.000000e+00 : f32
    %neg3A_522 = vector.broadcast %neg3A_521 : f32 to vector<16xf32>
    %neg3A_523 = arith.subf %neg3A_522, %abs3A_520 : vector<16xf32>
    %exp3A_524 = math.exp %neg3A_523 : vector<16xf32>
    %ge3A_525 = arith.constant 0.000000e+00 : f32
    %ge3A_526 = vector.broadcast %ge3A_525 : f32 to vector<16xf32>
    %ge3A_527 = arith.cmpf oge, %scan3A_21#24, %ge3A_526 : vector<16xf32>
    %add3A_528 = arith.constant 1.000000e+00 : f32
    %add3A_529 = vector.broadcast %add3A_528 : f32 to vector<16xf32>
    %add3A_530 = arith.addf %add3A_529, %exp3A_524 : vector<16xf32>
    %div3A_531 = arith.constant 1.000000e+00 : f32
    %div3A_532 = vector.broadcast %div3A_531 : f32 to vector<16xf32>
    %div3A_533 = arith.divf %div3A_532, %add3A_530 : vector<16xf32>
    %add3A_534 = arith.constant 1.000000e+00 : f32
    %add3A_535 = vector.broadcast %add3A_534 : f32 to vector<16xf32>
    %add3A_536 = arith.addf %add3A_535, %exp3A_524 : vector<16xf32>
    %div3A_537 = arith.divf %exp3A_524, %add3A_536 : vector<16xf32>
    %select_n3A_538 = arith.select %ge3A_527, %div3A_533, %div3A_537 : vector<16xi1>, vector<16xf32>
    %swap3A_539 = arith.constant 384 : index
    %swap3A_540 = tpu.vector_load %arg8[%swap3A_539] {strides = array<i32>} : memref<512xf32, #tpu.memory_space<vmem>>, vector<16xf32>,
    tpu.vector_store %arg8[%swap3A_539], %select_n3A_538 {strides = array<i32>} : memref<512xf32, #tpu.memory_space<vmem>>, vector<16xf32>,
    %abs3A_541 = math.absf %scan3A_21#25 : vector<16xf32>
    %neg3A_542 = arith.constant 0.000000e+00 : f32
    %neg3A_543 = vector.broadcast %neg3A_542 : f32 to vector<16xf32>
    %neg3A_544 = arith.subf %neg3A_543, %abs3A_541 : vector<16xf32>
    %exp3A_545 = math.exp %neg3A_544 : vector<16xf32>
    %ge3A_546 = arith.constant 0.000000e+00 : f32
    %ge3A_547 = vector.broadcast %ge3A_546 : f32 to vector<16xf32>
    %ge3A_548 = arith.cmpf oge, %scan3A_21#25, %ge3A_547 : vector<16xf32>
    %add3A_549 = arith.constant 1.000000e+00 : f32
    %add3A_550 = vector.broadcast %add3A_549 : f32 to vector<16xf32>
    %add3A_551 = arith.addf %add3A_550, %exp3A_545 : vector<16xf32>
    %div3A_552 = arith.constant 1.000000e+00 : f32
    %div3A_553 = vector.broadcast %div3A_552 : f32 to vector<16xf32>
    %div3A_554 = arith.divf %div3A_553, %add3A_551 : vector<16xf32>
    %add3A_555 = arith.constant 1.000000e+00 : f32
    %add3A_556 = vector.broadcast %add3A_555 : f32 to vector<16xf32>
    %add3A_557 = arith.addf %add3A_556, %exp3A_545 : vector<16xf32>
    %div3A_558 = arith.divf %exp3A_545, %add3A_557 : vector<16xf32>
    %select_n3A_559 = arith.select %ge3A_548, %div3A_554, %div3A_558 : vector<16xi1>, vector<16xf32>
    %swap3A_560 = arith.constant 400 : index
    %swap3A_561 = tpu.vector_load %arg8[%swap3A_560] {strides = array<i32>} : memref<512xf32, #tpu.memory_space<vmem>>, vector<16xf32>,
    tpu.vector_store %arg8[%swap3A_560], %select_n3A_559 {strides = array<i32>} : memref<512xf32, #tpu.memory_space<vmem>>, vector<16xf32>,
    %abs3A_562 = math.absf %scan3A_21#26 : vector<16xf32>
    %neg3A_563 = arith.constant 0.000000e+00 : f32
    %neg3A_564 = vector.broadcast %neg3A_563 : f32 to vector<16xf32>
    %neg3A_565 = arith.subf %neg3A_564, %abs3A_562 : vector<16xf32>
    %exp3A_566 = math.exp %neg3A_565 : vector<16xf32>
    %ge3A_567 = arith.constant 0.000000e+00 : f32
    %ge3A_568 = vector.broadcast %ge3A_567 : f32 to vector<16xf32>
    %ge3A_569 = arith.cmpf oge, %scan3A_21#26, %ge3A_568 : vector<16xf32>
    %add3A_570 = arith.constant 1.000000e+00 : f32
    %add3A_571 = vector.broadcast %add3A_570 : f32 to vector<16xf32>
    %add3A_572 = arith.addf %add3A_571, %exp3A_566 : vector<16xf32>
    %div3A_573 = arith.constant 1.000000e+00 : f32
    %div3A_574 = vector.broadcast %div3A_573 : f32 to vector<16xf32>
    %div3A_575 = arith.divf %div3A_574, %add3A_572 : vector<16xf32>
    %add3A_576 = arith.constant 1.000000e+00 : f32
    %add3A_577 = vector.broadcast %add3A_576 : f32 to vector<16xf32>
    %add3A_578 = arith.addf %add3A_577, %exp3A_566 : vector<16xf32>
    %div3A_579 = arith.divf %exp3A_566, %add3A_578 : vector<16xf32>
    %select_n3A_580 = arith.select %ge3A_569, %div3A_575, %div3A_579 : vector<16xi1>, vector<16xf32>
    %swap3A_581 = arith.constant 416 : index
    %swap3A_582 = tpu.vector_load %arg8[%swap3A_581] {strides = array<i32>} : memref<512xf32, #tpu.memory_space<vmem>>, vector<16xf32>,
    tpu.vector_store %arg8[%swap3A_581], %select_n3A_580 {strides = array<i32>} : memref<512xf32, #tpu.memory_space<vmem>>, vector<16xf32>,
    %abs3A_583 = math.absf %scan3A_21#27 : vector<16xf32>
    %neg3A_584 = arith.constant 0.000000e+00 : f32
    %neg3A_585 = vector.broadcast %neg3A_584 : f32 to vector<16xf32>
    %neg3A_586 = arith.subf %neg3A_585, %abs3A_583 : vector<16xf32>
    %exp3A_587 = math.exp %neg3A_586 : vector<16xf32>
    %ge3A_588 = arith.constant 0.000000e+00 : f32
    %ge3A_589 = vector.broadcast %ge3A_588 : f32 to vector<16xf32>
    %ge3A_590 = arith.cmpf oge, %scan3A_21#27, %ge3A_589 : vector<16xf32>
    %add3A_591 = arith.constant 1.000000e+00 : f32
    %add3A_592 = vector.broadcast %add3A_591 : f32 to vector<16xf32>
    %add3A_593 = arith.addf %add3A_592, %exp3A_587 : vector<16xf32>
    %div3A_594 = arith.constant 1.000000e+00 : f32
    %div3A_595 = vector.broadcast %div3A_594 : f32 to vector<16xf32>
    %div3A_596 = arith.divf %div3A_595, %add3A_593 : vector<16xf32>
    %add3A_597 = arith.constant 1.000000e+00 : f32
    %add3A_598 = vector.broadcast %add3A_597 : f32 to vector<16xf32>
    %add3A_599 = arith.addf %add3A_598, %exp3A_587 : vector<16xf32>
    %div3A_600 = arith.divf %exp3A_587, %add3A_599 : vector<16xf32>
    %select_n3A_601 = arith.select %ge3A_590, %div3A_596, %div3A_600 : vector<16xi1>, vector<16xf32>
    %swap3A_602 = arith.constant 432 : index
    %swap3A_603 = tpu.vector_load %arg8[%swap3A_602] {strides = array<i32>} : memref<512xf32, #tpu.memory_space<vmem>>, vector<16xf32>,
    tpu.vector_store %arg8[%swap3A_602], %select_n3A_601 {strides = array<i32>} : memref<512xf32, #tpu.memory_space<vmem>>, vector<16xf32>,
    %abs3A_604 = math.absf %scan3A_21#28 : vector<16xf32>
    %neg3A_605 = arith.constant 0.000000e+00 : f32
    %neg3A_606 = vector.broadcast %neg3A_605 : f32 to vector<16xf32>
    %neg3A_607 = arith.subf %neg3A_606, %abs3A_604 : vector<16xf32>
    %exp3A_608 = math.exp %neg3A_607 : vector<16xf32>
    %ge3A_609 = arith.constant 0.000000e+00 : f32
    %ge3A_610 = vector.broadcast %ge3A_609 : f32 to vector<16xf32>
    %ge3A_611 = arith.cmpf oge, %scan3A_21#28, %ge3A_610 : vector<16xf32>
    %add3A_612 = arith.constant 1.000000e+00 : f32
    %add3A_613 = vector.broadcast %add3A_612 : f32 to vector<16xf32>
    %add3A_614 = arith.addf %add3A_613, %exp3A_608 : vector<16xf32>
    %div3A_615 = arith.constant 1.000000e+00 : f32
    %div3A_616 = vector.broadcast %div3A_615 : f32 to vector<16xf32>
    %div3A_617 = arith.divf %div3A_616, %add3A_614 : vector<16xf32>
    %add3A_618 = arith.constant 1.000000e+00 : f32
    %add3A_619 = vector.broadcast %add3A_618 : f32 to vector<16xf32>
    %add3A_620 = arith.addf %add3A_619, %exp3A_608 : vector<16xf32>
    %div3A_621 = arith.divf %exp3A_608, %add3A_620 : vector<16xf32>
    %select_n3A_622 = arith.select %ge3A_611, %div3A_617, %div3A_621 : vector<16xi1>, vector<16xf32>
    %swap3A_623 = arith.constant 448 : index
    %swap3A_624 = tpu.vector_load %arg8[%swap3A_623] {strides = array<i32>} : memref<512xf32, #tpu.memory_space<vmem>>, vector<16xf32>,
    tpu.vector_store %arg8[%swap3A_623], %select_n3A_622 {strides = array<i32>} : memref<512xf32, #tpu.memory_space<vmem>>, vector<16xf32>,
    %abs3A_625 = math.absf %scan3A_21#29 : vector<16xf32>
    %neg3A_626 = arith.constant 0.000000e+00 : f32
    %neg3A_627 = vector.broadcast %neg3A_626 : f32 to vector<16xf32>
    %neg3A_628 = arith.subf %neg3A_627, %abs3A_625 : vector<16xf32>
    %exp3A_629 = math.exp %neg3A_628 : vector<16xf32>
    %ge3A_630 = arith.constant 0.000000e+00 : f32
    %ge3A_631 = vector.broadcast %ge3A_630 : f32 to vector<16xf32>
    %ge3A_632 = arith.cmpf oge, %scan3A_21#29, %ge3A_631 : vector<16xf32>
    %add3A_633 = arith.constant 1.000000e+00 : f32
    %add3A_634 = vector.broadcast %add3A_633 : f32 to vector<16xf32>
    %add3A_635 = arith.addf %add3A_634, %exp3A_629 : vector<16xf32>
    %div3A_636 = arith.constant 1.000000e+00 : f32
    %div3A_637 = vector.broadcast %div3A_636 : f32 to vector<16xf32>
    %div3A_638 = arith.divf %div3A_637, %add3A_635 : vector<16xf32>
    %add3A_639 = arith.constant 1.000000e+00 : f32
    %add3A_640 = vector.broadcast %add3A_639 : f32 to vector<16xf32>
    %add3A_641 = arith.addf %add3A_640, %exp3A_629 : vector<16xf32>
    %div3A_642 = arith.divf %exp3A_629, %add3A_641 : vector<16xf32>
    %select_n3A_643 = arith.select %ge3A_632, %div3A_638, %div3A_642 : vector<16xi1>, vector<16xf32>
    %swap3A_644 = arith.constant 464 : index
    %swap3A_645 = tpu.vector_load %arg8[%swap3A_644] {strides = array<i32>} : memref<512xf32, #tpu.memory_space<vmem>>, vector<16xf32>,
    tpu.vector_store %arg8[%swap3A_644], %select_n3A_643 {strides = array<i32>} : memref<512xf32, #tpu.memory_space<vmem>>, vector<16xf32>,
    %abs3A_646 = math.absf %scan3A_21#30 : vector<16xf32>
    %neg3A_647 = arith.constant 0.000000e+00 : f32
    %neg3A_648 = vector.broadcast %neg3A_647 : f32 to vector<16xf32>
    %neg3A_649 = arith.subf %neg3A_648, %abs3A_646 : vector<16xf32>
    %exp3A_650 = math.exp %neg3A_649 : vector<16xf32>
    %ge3A_651 = arith.constant 0.000000e+00 : f32
    %ge3A_652 = vector.broadcast %ge3A_651 : f32 to vector<16xf32>
    %ge3A_653 = arith.cmpf oge, %scan3A_21#30, %ge3A_652 : vector<16xf32>
    %add3A_654 = arith.constant 1.000000e+00 : f32
    %add3A_655 = vector.broadcast %add3A_654 : f32 to vector<16xf32>
    %add3A_656 = arith.addf %add3A_655, %exp3A_650 : vector<16xf32>
    %div3A_657 = arith.constant 1.000000e+00 : f32
    %div3A_658 = vector.broadcast %div3A_657 : f32 to vector<16xf32>
    %div3A_659 = arith.divf %div3A_658, %add3A_656 : vector<16xf32>
    %add3A_660 = arith.constant 1.000000e+00 : f32
    %add3A_661 = vector.broadcast %add3A_660 : f32 to vector<16xf32>
    %add3A_662 = arith.addf %add3A_661, %exp3A_650 : vector<16xf32>
    %div3A_663 = arith.divf %exp3A_650, %add3A_662 : vector<16xf32>
    %select_n3A_664 = arith.select %ge3A_653, %div3A_659, %div3A_663 : vector<16xi1>, vector<16xf32>
    %swap3A_665 = arith.constant 480 : index
    %swap3A_666 = tpu.vector_load %arg8[%swap3A_665] {strides = array<i32>} : memref<512xf32, #tpu.memory_space<vmem>>, vector<16xf32>,
    tpu.vector_store %arg8[%swap3A_665], %select_n3A_664 {strides = array<i32>} : memref<512xf32, #tpu.memory_space<vmem>>, vector<16xf32>,
    %abs3A_667 = math.absf %scan3A_21#31 : vector<16xf32>
    %neg3A_668 = arith.constant 0.000000e+00 : f32
    %neg3A_669 = vector.broadcast %neg3A_668 : f32 to vector<16xf32>
    %neg3A_670 = arith.subf %neg3A_669, %abs3A_667 : vector<16xf32>
    %exp3A_671 = math.exp %neg3A_670 : vector<16xf32>
    %ge3A_672 = arith.constant 0.000000e+00 : f32
    %ge3A_673 = vector.broadcast %ge3A_672 : f32 to vector<16xf32>
    %ge3A_674 = arith.cmpf oge, %scan3A_21#31, %ge3A_673 : vector<16xf32>
    %add3A_675 = arith.constant 1.000000e+00 : f32
    %add3A_676 = vector.broadcast %add3A_675 : f32 to vector<16xf32>
    %add3A_677 = arith.addf %add3A_676, %exp3A_671 : vector<16xf32>
    %div3A_678 = arith.constant 1.000000e+00 : f32
    %div3A_679 = vector.broadcast %div3A_678 : f32 to vector<16xf32>
    %div3A_680 = arith.divf %div3A_679, %add3A_677 : vector<16xf32>
    %add3A_681 = arith.constant 1.000000e+00 : f32
    %add3A_682 = vector.broadcast %add3A_681 : f32 to vector<16xf32>
    %add3A_683 = arith.addf %add3A_682, %exp3A_671 : vector<16xf32>
    %div3A_684 = arith.divf %exp3A_671, %add3A_683 : vector<16xf32>
    %select_n3A_685 = arith.select %ge3A_674, %div3A_680, %div3A_684 : vector<16xi1>, vector<16xf32>
    %swap3A_686 = arith.constant 496 : index
    %swap3A_687 = tpu.vector_load %arg8[%swap3A_686] {strides = array<i32>} : memref<512xf32, #tpu.memory_space<vmem>>, vector<16xf32>,
    tpu.vector_store %arg8[%swap3A_686], %select_n3A_685 {strides = array<i32>} : memref<512xf32, #tpu.memory_space<vmem>>, vector<16xf32>,
    "tpu.region"() ({
      %run_scoped3A = tpu.sem_alloc : memref<!tpu.dma_semaphore, #tpu.memory_space<semaphore_mem>>
      %dma_start3A = tpu.memref_slice %arg5[%mul3A_2] : memref<16384xf32, #tpu.memory_space<hbm>> -> memref<512xf32, #tpu.memory_space<hbm>>
      %dma_start3A_688 = tpu.memref_slice %arg5[%mul3A_2] : memref<16384xf32, #tpu.memory_space<hbm>> -> memref<512xf32, #tpu.memory_space<hbm>>
      tpu.enqueue_dma source(%arg8 : memref<512xf32, #tpu.memory_space<vmem>>) target(%dma_start3A_688 : memref<512xf32, #tpu.memory_space<hbm>>) target_semaphore(%run_scoped3A : memref<!tpu.dma_semaphore, #tpu.memory_space<semaphore_mem>>)
      %dma_wait3A = tpu.memref_slice %arg5[%mul3A_2] : memref<16384xf32, #tpu.memory_space<hbm>> -> memref<512xf32, #tpu.memory_space<hbm>>
      %dma_wait3A_689 = tpu.memref_slice %arg5[%mul3A_2] : memref<16384xf32, #tpu.memory_space<hbm>> -> memref<512xf32, #tpu.memory_space<hbm>>
      tpu.wait_dma2 semaphore(%run_scoped3A : memref<!tpu.dma_semaphore, #tpu.memory_space<semaphore_mem>>) src(%arg8 : memref<512xf32, #tpu.memory_space<vmem>>) dst(%dma_wait3A_689 : memref<512xf32, #tpu.memory_space<hbm>>)
      tpu.yield
    }) : () -> ()
    return
  }
}

</mosaic_0001>

<sc_bundles>
// kernel: kernel.3.cloned.1.call-start
scs
__scs_entry_jumppad:
0x0: {  	(pc) =	sbr.rel $0x88, $3  }
0x1: {  	(tag) =	ssettag $0x0;
	lr =	simm.s32 $0x1  }
0x2: {  	[smem:$0x3F9E] =	sst lr;
	_ =	strace $0xD0000000  }
0x3: {  	_ = 	snop  }
0x4: {  	_ = 	snop  }
0x5: {  	_ = 	snop  }
0x6: {  	_ = 	snop  }
0x7: {  	_ = 	snop  }
__scs_overlays_trampoline_lowered:
0x8: {  	[smem:$0x3FAD] =	sst s0  }
0x9: {  	[smem:$0x3FAE] =	sst s1  }
0xa: {  	[smem:$0x3FAF] =	sst s2  }
0xb: {  	[smem:$0x3FB0] =	sst s3  }
0xc: {  	[smem:$0x3FB1] =	sst s4  }
0xd: {  	[smem:$0x3FB2] =	sst s5  }
0xe: {  	[smem:$0x3FB3] =	sst s6  }
0xf: {  	[smem:$0x3FB4] =	sst s7  }
0x10: {  	[smem:$0x3FB5] =	sst s8  }
0x11: {  	[smem:$0x3FB6] =	sst s9;
	s0 =	simm.s32 @!p0 $0x0  }
0x12: {  	s1 =	sld [smem:$0x3F9C];
	s0 =	simm.s32 @p0 $0x1  }
0x13: {  	[smem:$0x3FB7] =	sst s0;
	s0 =	simm.s32 @!p1 $0x0  }
0x14: {  	s2 =	sld [smem:$0x3F9B];
	s0 =	simm.s32 @p1 $0x1  }
0x15: {  	[smem:$0x3FB8] =	sst s0;
	s0 =	simm.s32 @!p2 $0x0  }
0x16: {  	s3 =	sld [smem:$0x3FDB];
	s0 =	simm.s32 @p2 $0x1  }
0x17: {  	s4 =	simm.s32 $0x1BF5;
	[smem:$0x3FBA] =	sst s0  }
0x18: {  	s0 =	sld [smem:$0x3F9D];
	_ =	swait.ge [sflag:s4], $0x0  }
0x19: {  	s7 =	sld [smem:$0x3F9E]  }
0x1a: {  	s8 =	sadd.s32 $0xFFFFE003, lr  }
0x1b: {  	s9 =	sadd.s32 $0xFFFFFEF7, lr;
	s5 =	simm.s32 $0xFFFFFFFF;
	p2 =	slt.u32 s8, $0xFFFFF086  }
0x1c: {  	p1 =	slt.u32 s9, $0xF7A;
	s5 =	simm.s32 @!p2 $0x0  }
0x1d: {  	s5 =	simm.s32 @p1 $0x1;
	p0 =	seq.s32 s7, s2  }
0x1e: {  	s7 =	smul.u32 @!p0 $0xF7A, s2;
	p2 =	seq.s32 @!p0 s5, $0x0  }
0x1f: {  	s9 =	smul.u32 $0xF7A, s1;
	s8 =	simm.s32 @!p0 $0x1BF5;
	p2 =	por !p2, p0  }
0x20: {  	[sflag:s8] =	ssyncset.s32 @!p0 $0xFFFFF086;
	s6 =	sadd.s32 @!p0 s3, s7;
	s7 =	simm.s32 @!p0 $0x108  }
0x21: {  	s3 =	sadd.s32 s3, s9;
	s6 =	sadd.s32 @!p0 $0x88, s6;
	s7 =	simm.s32 @p2 $0x1082  }
0x22: {  	[simem:s7], [sflag:s8] =	dma.local @!p0 [hbm:s6], $0xF7A  }
0x23: {  	s9 =	sor.u32 $0xD0000000, s2;
	s6 =	simm.s32 $0x108;
	_ =	swait.ge @!p0 [sflag:s8], $0x0  }
0x24: {  	s3 =	sadd.s32 $0x88, s3;
	s6 =	simm.s32 @!p1 $0x1082;
	[sflag:s4] =	ssyncset.s32 $0xFFFFF086  }
0x25: {  	[simem:s6], [sflag:s4] =	dma.local [hbm:s3], $0xF7A  }
0x26: {  	[smem:$0x3F9E] =	sst s1;
	(tag) =	ssettag s2;
	_ =	strace s9  }
0x27: {  	s1 =	sld [smem:$0x3FAE]  }
0x28: {  	s2 =	sld [smem:$0x3FAF]  }
0x29: {  	s4 =	sld [smem:$0x3FB1]  }
0x2a: {  	p0 =	seq.s32 s5, $0x0;
	s5 =	sld [smem:$0x3FB2]  }
0x2b: {  	s6 =	sld [smem:$0x3FB3]  }
0x2c: {  	s7 =	sld [smem:$0x3FB4]  }
0x2d: {  	s3 =	simm.s32 $0x108;
	s8 =	sld [smem:$0x3FB5]  }
0x2e: {  	s3 =	simm.s32 @!p0 $0x1082;
	s9 =	sld [smem:$0x3FB6]  }
0x2f: {  	lr =	sadd.s32 s0, s3;
	s0 =	sld [smem:$0x3FAD]  }
0x30: {  	s3 =	sld [smem:$0x3FB0]  }
0x31: {  	[smem:$0x3FB9] =	sst s10  }
0x32: {  	s10 =	sld [smem:$0x3FB7];
	_ =	sdelay $0x3  }
0x33: {  	p0 =	seq.s32 s10, $0x1;
	s10 =	sld [smem:$0x3FB9];
	_ =	sdelay $0x3  }
0x34: {  	[smem:$0x3FB9] =	sst s10  }
0x35: {  	s10 =	sld [smem:$0x3FB8];
	_ =	sdelay $0x3  }
0x36: {  	p1 =	seq.s32 s10, $0x1;
	s10 =	sld [smem:$0x3FB9];
	_ =	sdelay $0x3  }
0x37: {  	[smem:$0x3FB9] =	sst s10  }
0x38: {  	s10 =	sld [smem:$0x3FBA]  }
0x39: {  	_ = 	snop;
	(pc) =	sbr.ind lr, $3  }
0x3a: {  	_ = 	snop  }
0x3b: {  	_ = 	snop  }
0x3c: {  	p2 =	seq.s32 s10, $0x1;
	s10 =	sld [smem:$0x3FB9]  }
0x3d: {  	_ =	shalt  }
0x3e: {  	_ =	shalt  }
0x3f: {  	_ =	shalt  }
0x40: {  	_ =	shalt  }
0x41: {  	_ =	shalt  }
0x42: {  	_ =	shalt  }
0x43: {  	_ =	shalt  }
0x44: {  	_ =	shalt  }
0x45: {  	_ =	shalt  }
0x46: {  	_ =	shalt  }
0x47: {  	_ =	shalt  }
0x48: {  	_ =	shalt  }
0x49: {  	_ =	shalt  }
0x4a: {  	_ =	shalt  }
0x4b: {  	_ =	shalt  }
0x4c: {  	_ =	shalt  }
0x4d: {  	_ =	shalt  }
0x4e: {  	_ =	shalt  }
0x4f: {  	_ =	shalt  }
0x50: {  	_ =	shalt  }
0x51: {  	_ =	shalt  }
0x52: {  	_ =	shalt  }
0x53: {  	_ =	shalt  }
0x54: {  	_ =	shalt  }
0x55: {  	_ =	shalt  }
0x56: {  	_ =	shalt  }
0x57: {  	_ =	shalt  }
0x58: {  	_ =	shalt  }
0x59: {  	_ =	shalt  }
0x5a: {  	_ =	shalt  }
0x5b: {  	_ =	shalt  }
0x5c: {  	_ =	shalt  }
0x5d: {  	_ =	shalt  }
0x5e: {  	_ =	shalt  }
0x5f: {  	_ =	shalt  }
0x60: {  	_ =	shalt  }
0x61: {  	_ =	shalt  }
0x62: {  	_ =	shalt  }
0x63: {  	_ =	shalt  }
0x64: {  	_ =	shalt  }
0x65: {  	_ =	shalt  }
0x66: {  	_ =	shalt  }
0x67: {  	_ =	shalt  }
0x68: {  	_ =	shalt  }
0x69: {  	_ =	shalt  }
0x6a: {  	_ =	shalt  }
0x6b: {  	_ =	shalt  }
0x6c: {  	_ =	shalt  }
0x6d: {  	_ =	shalt  }
0x6e: {  	_ =	shalt  }
0x6f: {  	_ =	shalt  }
0x70: {  	_ =	shalt  }
0x71: {  	_ =	shalt  }
0x72: {  	_ =	shalt  }
0x73: {  	_ =	shalt  }
0x74: {  	_ =	shalt  }
0x75: {  	_ =	shalt  }
0x76: {  	_ =	shalt  }
0x77: {  	_ =	shalt  }
0x78: {  	_ =	shalt  }
0x79: {  	_ =	shalt  }
0x7a: {  	_ =	shalt  }
0x7b: {  	_ =	shalt  }
0x7c: {  	_ =	shalt  }
0x7d: {  	_ =	shalt  }
0x7e: {  	_ =	shalt  }
0x7f: {  	_ =	shalt  }
0x80: {  	_ =	shalt  }
0x81: {  	_ =	shalt  }
0x82: {  	_ =	shalt  }
0x83: {  	_ =	shalt  }
0x84: {  	_ =	shalt  }
0x85: {  	_ =	shalt  }
0x86: {  	_ =	shalt  }
0x87: {  	_ =	shalt  }
.Lfunc_end0:
.L_simem_size_0:
called_computation_lowered:
.L_overlay_start_0:
0x88: {  	s2 =	sld [smem:$0x3FD9]  }
0x89: {  	s3 =	sld [smem:$0x3FFE];
	_ =	sdelay $0x1  }
0x8a: {  	s1 =	srdreg.scid  }
0x8b: {  	s0 =	sand.u32 $0x1, s1  }
0x8c: {  	s18 =	sshll.u32 s0, $0xA;
	s2 =	sadd.s32 s3, s2  }
0x8d: {  	s2 =	sadd.s32 s2, s18  }
0x8e: {  	[smem:$0x3FC5] =	sst s2  }
0x8f: {  	_ = 	snop  }
0x90: {  	s2 =	sld [smem:$0x3FC9]  }
0x91: {  	s19 =	sld [smem:$0x3FC8]  }
0x92: {  	s4 =	sld [smem:$0x3FC7]  }
0x93: {  	s5 =	sld [smem:$0x3FD0];
	(tm) =	ssettm $0x1  }
0x94: {  	s6 =	sld [smem:$0x3FFB];
	_ =	sdelay $0x3  }
0x95: {  	_ =	strace s6  }
0x96: {  	s6 =	sld [smem:$0x3FFC];
	_ =	sdelay $0x3  }
0x97: {  	_ =	strace s6  }
0x98: {  	s6 =	sld [smem:$0x3FFD];
	_ =	sdelay $0x3  }
0x99: {  	_ =	strace s6  }
0x9a: {  	_ =	strace $0x8FFFFFFF  }
0x9b: {  	s20 =	sld [smem:$0x3FDB];
	_ =	sdelay $0x1  }
0x9c: {  	s7 =	simm.s32 $_scs_section_size  }
0x9d: {  	s8 =	simm.s32 $_size__tile_overlayer_lowered;
	s9 =	simm.s32 $_tile_overlayer_lowered  }
0x9e: {  	s23 =	simm.s32 $0x1BFF;
	s22 =	sshll.u32 s9, $0x1;
	s6 =	sadd.s32 s7, s20  }
0x9f: {  	s10 =	simm.s32 $0x0;
	s21 =	sshll.u32 s8, $0x1;
	s8 =	sadd.s32 s22, s6  }
0xa0: {  	[timem:s10], [sflag:s23] =	dma.local [hbm:s8], s21  }
0xa1: {  	_ =	swait.ge [sflag:s23], s21  }
0xa2: {  	s7 =	ssub.s32 $0x0, s21;
	[sflag:s23] =	ssyncset.done $0x0  }
0xa3: {  	[sflag:s23] =	ssyncadd.s32 s7;
	_ =	sdelay $0x1  }
0xa4: {  	s24 =	simm.s32 $0x1B8B  }
0xa5: {  	_ =	swait.ge [sflag:s24], $0x1  }
0xa6: {  	[sflag:s24] =	ssyncset.done $0x0  }
0xa7: {  	s25 =	simm.s32 $0x1B8E;
	[sflag:s24] =	ssyncadd.s32 $0xFFFFFFFF  }
0xa8: {  	s26 =	simm.s32 $execute0_lowered;
	[smem:$0x3FD2] =	sst s25  }
0xa9: {  	s7 =	sshll.u32 s26, $0x1;
	_ =	strace $0x80000046;
	[dreg:$0x1] =	wrdreg $0xFFFFFFFF  }
0xaa: {  	s28 =	simm.s32 $_size_execute0_lowered;
	s6 =	sadd.s32 s6, s7;
	[dreg:$0x0] =	wrdreg $0x0  }
0xab: {  	s7 =	sshll.u32 s28, $0x1;
	[dreg:$0x2] =	wrdreg s6  }
0xac: {  	[dreg:$0x3] =	wrdreg s7  }
0xad: {  	[dreg:$0x4] =	wrdreg $0xC0  }
0xae: {  	_ =	task [dreg:s10], $0x5FFFF  }
0xaf: {  	[dreg:$0x1] =	wrdreg $0xFFFFFFFF  }
0xb0: {  	[dreg:$0x0] =	wrdreg $0x60  }
0xb1: {  	[dreg:$0x2] =	wrdreg s2  }
0xb2: {  	[dreg:$0x3] =	wrdreg s19  }
0xb3: {  	[dreg:$0x4] =	wrdreg s4  }
0xb4: {  	[dreg:$0x5] =	wrdreg s5  }
0xb5: {  	[dreg:$0x6] =	wrdreg $0x9  }
0xb6: {  	_ =	task.clear_ibuf [dreg:s10], $0x7FFFF;
	_ =	strace $0x90000046  }
0xb7: {  	s29 =	simm.s32 $0x9;
	_ =	strace $0x80000048  }
0xb8: {  	_ =	swait.ge [sflag:s29], $0x1  }
0xb9: {  	[sflag:s29] =	ssyncadd.s32 $0xFFFFFFFF  }
0xba: {  	_ =	strace $0x90000048  }
0xbb: {  	_ =	sfence  }
0xbc: {  	s30 =	sld [smem:$0x0];
	_ =	sdelay $0x2  }
0xbd: {  	s31 =	sshll.u32 s1, $0xD;
	s1 =	sshrl.u32 s1, $0x2  }
0xbe: {  	s3 =	sand.u32 $0x4000, s31;
	s1 =	sadd.s32 s1, s30  }
0xbf: {  	s0 =	sor.u32 s3, s0;
	s1 =	sshll.u32 s1, $0x11  }
0xc0: {  	s0 =	sor.u32 s1, s0  }
0xc1: {  	s0 =	sadd.s32 $0x8F2B, s0  }
0xc2: {  	[sflag:s0] =	ssyncadd.remote.s32 $0x1  }
0xc3: {  	_ =	sfence.sel $0xFFFF  }
0xc4: {  	[dreg:$0x0] =	wrdreg $0xFFFFFFFF;
	(pc) =	sbr.abs _section_cstart, $3  }
0xc5: {  	[dreg:$0x1] =	wrdreg $0xFFFFFFFF  }
0xc6: {  	_ =	task.clear_ibuf [dreg:s10], $0x2FFFF;
	_ =	strace $0x9FFFFFFF  }
0xc7: {  	(tm) =	ssettm $0x7FFFFFFF  }
tec
execute0_lowered:
.L_overlay_start_1:
0x0: {  	(tag) =	ssettag $0x1  }
0x1: {  	s1 =	rddreg [dreg:$0x0]  }
0x2: {  	s2 =	rddreg [dreg:$0x1]  }
0x3: {  	s3 =	rddreg [dreg:$0x2]  }
0x4: {  	s7 =	rddreg [dreg:$0x3]  }
0x5: {  	s0 =	rddreg [dreg:$0x4];
	s5 =	simm.s32 $0x0;
	s6 =	srdreg.scid  }
0x6: {  	s4 =	stileid.u32;
	s11 =	simm.s32 $0x2;
	s12 =	simm.s32 $0x80  }
0x7: {  	s13 =	simm.s32 $0x1;
	s14 =	simm.s32 $0x7400;
	s6 =	sand.u32 $0x1, s6  }
0x8: {  	s15 =	simm.s32 $0x0;
	[smem:$0x7FF] =	sst s5;
	s8 =	ssub.s32 $0x2, s6  }
0x9: {  	s9 =	sshll.u32 s4, $0xA;
	s6 =	sshll.u32 s6, $0x9;
	s10 =	sshrl.u32 s8, $0x1  }
0xa: {  	_ =	strace $0x80000047;
	s9 =	sor.u32 s6, s9;
	s8 =	ssub.s32 s8, s10  }
0xb: {  	s6 =	sshll.u32 s9, $0x3;
	s9 =	sshrl.u32 s9, $0x3;
	s10 =	simm.s32 $0x3  }
0xc: {  	s7 =	sadd.s32 s7, s9;
	s8 =	smax.u32 s8, $0x1;
	s9 =	simm.s32 $0x7600  }
.LBB2_1:
0xd: {  	s16 =	simm.s32 $0x0  }
0xe: {  	s17 =	sand.u32 $0xFFFE0000, s16  }
0xf: {  	s18 =	simm.s32 $0x0;
	s16 =	sand.u32 $0x380, s5;
	s17 =	sor.u32 s6, s17  }
0x10: {  	s19 =	sand.u32 $0x3FFFF000, s18;
	s17 =	sor.u32 s16, s17  }
0x11: {  	s18 =	simm.s32 $0x0;
	s20 =	sshrl.u32 s17, $0x3;
	s17 =	simm.s32 $0x1  }
.LBB2_2:
0x12: {  	p0 =	sne.s32 s17, $0x19;
	s19 =	sor.u32 s16, s19;
	s20 =	sadd.s32 s1, s20  }
0x13: {  	[tilespmem:s19], [sflag:$0x2] =	stream.linear.gather [hbm4b:s20+s5], $0x80, $0x38;
	[tilespmem:$0x7680] =	vst v63  }
0x14: {  	s18 =	sadd.s32 $0x80, s18;
	s22 =	sshll.u32 s17, $0xE  }
0x15: {  	s21 =	sshll.u32 s17, $0x9;
	s16 =	sand.u32 $0x380, s18;
	s22 =	sand.u32 $0xFFFE0000, s22  }
0x16: {  	s23 =	sadd.s32 $0x80, s20;
	s24 =	sor.u32 $0x400, s19;
	s22 =	sor.u32 s6, s22  }
0x17: {  	[tilespmem:s24], [sflag:$0x2] =	stream.linear.gather [hbm4b:s23+s5], $0x80, $0x38;
	[tilespmem:$0x7680] =	vst v63  }
.Ltmp0:
0x18: {  	s23 =	sadd.s32 $0x100, s20;
	s24 =	sor.u32 $0x800, s19;
	(pc) =	sbr.rel @p0 .LBB2_2-.Ltmp0, $4  }
0x19: {  	[tilespmem:s24], [sflag:$0x2] =	stream.linear.gather [hbm4b:s23+s5], $0x80, $0x38;
	[tilespmem:$0x7680] =	vst v63  }
0x1a: {  	s22 =	sor.u32 s16, s22;
	s20 =	sadd.s32 $0x180, s20;
	s19 =	sor.u32 $0xC00, s19  }
0x1b: {  	[tilespmem:s19], [sflag:$0x2] =	stream.linear.gather [hbm4b:s20+s5], $0x80, $0x38;
	[tilespmem:$0x7680] =	vst v63  }
0x1c: {  	s17 =	sadd.s32 $0x1, s17;
	s19 =	sand.u32 $0x3FFFF000, s21;
	s20 =	sshrl.u32 s22, $0x3  }
0x1d: {  	s16 =	sor.u32 s16, s19;
	s17 =	sadd.s32 s1, s20  }
0x1e: {  	[tilespmem:s16], [sflag:$0x2] =	stream.linear.gather [hbm4b:s17+s5], $0x80, $0x38;
	[tilespmem:$0x7680] =	vst v63  }
0x1f: {  	s18 =	sadd.s32 $0x80, s17;
	s19 =	sor.u32 $0x400, s16  }
0x20: {  	[tilespmem:s19], [sflag:$0x2] =	stream.linear.gather [hbm4b:s18+s5], $0x80, $0x38;
	[tilespmem:$0x7680] =	vst v63  }
0x21: {  	s22 =	sadd.s32 $0x100, s17;
	s23 =	sor.u32 $0x800, s16  }
0x22: {  	[tilespmem:s23], [sflag:$0x2] =	stream.linear.gather [hbm4b:s22+s5], $0x80, $0x38;
	[tilespmem:$0x7680] =	vst v63  }
0x23: {  	s17 =	sadd.s32 $0x180, s17;
	s16 =	sor.u32 $0xC00, s16  }
0x24: {  	[tilespmem:s16], [sflag:$0x2] =	stream.linear.gather [hbm4b:s17+s5], $0x80, $0x38;
	[tilespmem:$0x7680] =	vst v63  }
0x25: {  	s24 =	simm.s32 $0x0  }
0x26: {  	[tilespmem:s9], [sflag:$0x3] =	stream.linear.gather [hbm4b:s3+s24], $0x80, $0x38;
	[tilespmem:$0x7680] =	vst v63  }
0x27: {  	_ =	swait.ge [sflag:s10], $0x80  }
0x28: {  	[sflag:s10] =	ssyncset.done $0x0  }
0x29: {  	s26 =	simm.s32 $0x4000;
	[sflag:s10] =	ssyncadd.s32 $0xFFFFFF80  }
0x2a: {  	s29 =	simm.s32 $0x4080;
	s30 =	simm.s32 $0x4100;
	v0 =	vld.msk [tilespmem:s9+$0x0], $0xffff;
	_ =	swait.ge [sflag:s11], $0x200  }
0x2b: {  	s25 =	sand.u32 $0x3000, s24;
	s16 =	sand.u32 $0x380, s24;
	[sflag:s11] =	ssyncset.done $0x0  }
0x2c: {  	s18 =	simm.s32 $0x80;
	s28 =	sor.u32 s16, s25;
	[sflag:s11] =	ssyncadd.s32 $0xFFFFFE00  }
0x2d: {  	[tilespmem:s26], [sflag:$0x1] =	stream.indirect.gather [hbm4b:s2+s12], $0x1, s28, s12, $0xb8;
	[tilespmem:$0x7680] =	vst v63  }
0x2e: {  	s19 =	simm.s32 $0x4380;
	s16 =	simm.s32 $0x4180;
	s17 =	sor.u32 $0x400, s28  }
0x2f: {  	[tilespmem:s29], [sflag:$0x1] =	stream.indirect.gather [hbm4b:s2+s12], $0x1, s17, s12, $0xb8;
	[tilespmem:$0x7680] =	vst v63  }
0x30: {  	s31 =	sor.u32 $0x800, s28;
	s20 =	sor.u32 $0xC00, s28;
	s17 =	simm.s32 $0x200  }
0x31: {  	[tilespmem:s30], [sflag:$0x1] =	stream.indirect.gather [hbm4b:s2+s12], $0x1, s31, s12, $0xb8;
	[tilespmem:$0x7680] =	vst v63  }
.LBB2_4:
0x32: {  	[tilespmem:s16], [sflag:$0x1] =	stream.indirect.gather [hbm4b:s2+s12], $0x1, s20, s12, $0xb8;
	[tilespmem:$0x7680] =	vst v63  }
0x33: {  	s20 =	smov.u32 s17;
	s16 =	smov.u32 s19  }
0x34: {  	p0 =	sne.s32 s17, $0x3200;
	s17 =	sadd.s32 $0x200, s17;
	_ =	swait.ge [sflag:s11], $0x200  }
0x35: {  	s21 =	sand.u32 $0x380, s18;
	s20 =	sand.u32 $0x3000, s20;
	[sflag:s11] =	ssyncset.done $0x0  }
0x36: {  	s22 =	sadd.s32 $0xFFFFFE80, s19;
	s20 =	sor.u32 s21, s20;
	[sflag:s11] =	ssyncadd.s32 $0xFFFFFE00  }
0x37: {  	[tilespmem:s22], [sflag:$0x1] =	stream.indirect.gather [hbm4b:s2+s12], $0x1, s20, s12, $0xb8;
	[tilespmem:$0x7680] =	vst v63  }
.Ltmp1:
0x38: {  	s21 =	sadd.s32 $0xFFFFFF00, s19;
	s22 =	sor.u32 $0x400, s20;
	(pc) =	sbr.rel @p0 .LBB2_4-.Ltmp1, $4  }
0x39: {  	[tilespmem:s21], [sflag:$0x1] =	stream.indirect.gather [hbm4b:s2+s12], $0x1, s22, s12, $0xb8;
	[tilespmem:$0x7680] =	vst v63  }
0x3a: {  	s21 =	sadd.s32 $0xFFFFFF80, s19;
	s22 =	sor.u32 $0x800, s20  }
0x3b: {  	[tilespmem:s21], [sflag:$0x1] =	stream.indirect.gather [hbm4b:s2+s12], $0x1, s22, s12, $0xb8;
	[tilespmem:$0x7680] =	vst v63  }
0x3c: {  	s18 =	sadd.s32 $0x80, s18;
	s20 =	sor.u32 $0xC00, s20;
	s19 =	sadd.s32 $0x200, s19  }
0x3d: {  	[tilespmem:s16], [sflag:$0x1] =	stream.indirect.gather [hbm4b:s2+s12], $0x1, s20, s12, $0xb8;
	[tilespmem:$0x7680] =	vst v63  }
0x3e: {  	_ =	swait.ge [sflag:s13], $0x80  }
0x3f: {  	[sflag:s13] =	ssyncset.done $0x0  }
0x40: {  	[sflag:s13] =	ssyncadd.s32 $0xFFFFFF80  }
0x41: {  	_ =	swait.ge [sflag:s13], $0x80  }
0x42: {  	[sflag:s13] =	ssyncset.done $0x0  }
0x43: {  	[sflag:s13] =	ssyncadd.s32 $0xFFFFFF80  }
0x44: {  	_ =	swait.ge [sflag:s13], $0x80  }
0x45: {  	[sflag:s13] =	ssyncset.done $0x0  }
0x46: {  	[sflag:s13] =	ssyncadd.s32 $0xFFFFFF80  }
0x47: {  	_ =	swait.ge [sflag:s13], $0x80  }
0x48: {  	v1 =	vmov v0;
	[sflag:s13] =	ssyncset.done $0x0  }
0x49: {  	s16 =	simm.s32 $0x0;
	v4 =	vmovc v0;
	v7 =	vmovc v0;
	v11 =	vmov v0;
	v15 =	vmov v0;
	v23 =	vmov v0;
	[sflag:s13] =	ssyncadd.s32 $0xFFFFFF80  }
0x4a: {  	v45 =	vmovc v0;
	v38 =	vmovc v0;
	v19 =	vmov v0;
	v24 =	vmov v0;
	v2 =	vmov v0;
	v10 =	vld [tilespmem:s16+$0x41F0]  }
0x4b: {  	v3 =	vmovc v0;
	v5 =	vmovc v0;
	v6 =	vmov v0;
	v8 =	vmov v0;
	v9 =	vmov v0;
	v13 =	vld [tilespmem:s16+$0x41D0]  }
0x4c: {  	v12 =	vmovc v0;
	v14 =	vmovc v0;
	v16 =	vmov v0;
	v20 =	vmov v0;
	v26 =	vmov v0;
	v17 =	vld [tilespmem:s16+$0x41A0]  }
0x4d: {  	v39 =	vmovc v0;
	v49 =	vmovc v0;
	v51 =	vmov v0;
	v41 =	vmov v0;
	v18 =	vmov v0;
	v31 =	vld [tilespmem:s16+$0x4170]  }
0x4e: {  	s17 =	simm.s32 $0x800;
	v21 =	vmovc v0;
	v22 =	vmovc v0;
	v25 =	vmov v0;
	v27 =	vmov v0;
	v28 =	vmov v0;
	v52 =	vld [tilespmem:s16+$0x4140]  }
.LBB2_6:
0x4f: {  	p0 =	sne.s32 s17, $0xC800;
	v29 =	vld [tilespmem:s16+$0x4110];
	v0 =	vadd.f32 v10, v0;
	s18 =	smov.u32 s17;
	s17 =	sadd.s32 $0x800, s17  }
0x50: {  	v10 =	vld [tilespmem:s16+$0x40E0];
	v1 =	vadd.f32 v13, v1  }
0x51: {  	v13 =	vld [tilespmem:s16+$0x40B0];
	v4 =	vadd.f32 v17, v4  }
0x52: {  	v17 =	vld [tilespmem:s16+$0x4080];
	v7 =	vadd.f32 v31, v7  }
0x53: {  	v30 =	vld [tilespmem:s16+$0x4050];
	v11 =	vadd.f32 v52, v11  }
0x54: {  	v31 =	vld [tilespmem:s16+$0x4020];
	v15 =	vadd.f32 v29, v15  }
0x55: {  	v23 =	vadd.f32 v10, v23;
	v10 =	vld [tilespmem:s16+$0x41E0]  }
0x56: {  	v45 =	vadd.f32 v13, v45;
	v13 =	vld [tilespmem:s16+$0x41C0]  }
0x57: {  	v38 =	vadd.f32 v17, v38;
	v17 =	vld [tilespmem:s16+$0x41B0]  }
0x58: {  	v19 =	vadd.f32 v30, v19;
	v29 =	vld [tilespmem:s16+$0x4190]  }
0x59: {  	v24 =	vadd.f32 v31, v24;
	v30 =	vld [tilespmem:s16+$0x4180]  }
0x5a: {  	v31 =	vld [tilespmem:s16+$0x4160];
	v2 =	vadd.f32 v10, v2  }
0x5b: {  	v10 =	vld [tilespmem:s16+$0x4150];
	v3 =	vadd.f32 v13, v3  }
0x5c: {  	v13 =	vld [tilespmem:s16+$0x4130];
	v5 =	vadd.f32 v17, v5  }
0x5d: {  	v17 =	vld [tilespmem:s16+$0x4120];
	v6 =	vadd.f32 v29, v6  }
0x5e: {  	v29 =	vld [tilespmem:s16+$0x4100];
	v8 =	vadd.f32 v30, v8  }
0x5f: {  	v30 =	vld [tilespmem:s16+$0x40F0];
	v9 =	vadd.f32 v31, v9  }
0x60: {  	v31 =	vld [tilespmem:s16+$0x40D0];
	v12 =	vadd.f32 v10, v12  }
0x61: {  	v10 =	vld [tilespmem:s16+$0x40C0];
	v14 =	vadd.f32 v13, v14  }
0x62: {  	v13 =	vld [tilespmem:s16+$0x40A0];
	v16 =	vadd.f32 v17, v16  }
0x63: {  	v17 =	vld [tilespmem:s16+$0x4090];
	v20 =	vadd.f32 v29, v20  }
0x64: {  	v29 =	vld [tilespmem:s16+$0x4070];
	v26 =	vadd.f32 v30, v26  }
0x65: {  	v30 =	vld [tilespmem:s16+$0x4060];
	v39 =	vadd.f32 v31, v39  }
0x66: {  	v31 =	vld [tilespmem:s16+$0x4040];
	v49 =	vadd.f32 v10, v49  }
0x67: {  	v10 =	vld [tilespmem:s16+$0x4030];
	v51 =	vadd.f32 v13, v51  }
0x68: {  	v13 =	vld [tilespmem:s16+$0x4010];
	v41 =	vadd.f32 v17, v41  }
0x69: {  	v17 =	vld [tilespmem:s16+$0x4000];
	v18 =	vadd.f32 v29, v18  }
0x6a: {  	_ =	swait.ge [sflag:s13], $0x80;
	v21 =	vadd.f32 v30, v21  }
0x6b: {  	[sflag:s13] =	ssyncset.done $0x0;
	v22 =	vadd.f32 v31, v22  }
0x6c: {  	[sflag:s13] =	ssyncadd.s32 $0xFFFFFF80;
	v25 =	vadd.f32 v10, v25  }
0x6d: {  	_ =	swait.ge [sflag:s13], $0x80;
	v27 =	vadd.f32 v13, v27  }
0x6e: {  	[sflag:s13] =	ssyncset.done $0x0;
	v28 =	vadd.f32 v17, v28  }
0x6f: {  	[sflag:s13] =	ssyncadd.s32 $0xFFFFFF80  }
0x70: {  	_ =	swait.ge [sflag:s13], $0x80  }
0x71: {  	[sflag:s13] =	ssyncset.done $0x0  }
0x72: {  	[sflag:s13] =	ssyncadd.s32 $0xFFFFFF80  }
0x73: {  	_ =	swait.ge [sflag:s13], $0x80  }
0x74: {  	[sflag:s13] =	ssyncset.done $0x0  }
0x75: {  	s16 =	sshra.s32 s18, $0x2;
	[sflag:s13] =	ssyncadd.s32 $0xFFFFFF80  }
.Ltmp2:
0x76: {  	v10 =	vld [tilespmem:s16+$0x41F0];
	(pc) =	sbr.rel @p0 .LBB2_6-.Ltmp2, $4  }
0x77: {  	v13 =	vld [tilespmem:s16+$0x41D0]  }
0x78: {  	v17 =	vld [tilespmem:s16+$0x41A0]  }
0x79: {  	v31 =	vld [tilespmem:s16+$0x4170]  }
0x7a: {  	v52 =	vld [tilespmem:s16+$0x4140]  }
0x7b: {  	v29 =	vld [tilespmem:s16+$0x4000];
	_ =	sdelay $0x4  }
0x7c: {  	v28 =	vadd.f32 v29, v28;
	_ =	sdelay $0x1  }
0x7d: {  	[tilespmem:$0x1FDD0] =	vst v28;
	v28 =	vand.u32 $0x7FFFFFFF, v28  }
0x7e: {  	v28 =	vsub.f32 $0.0e+00, v28;
	_ =	sdelay $0x1  }
0x7f: {  	v28 =	vmul.f32 $1.442695020e+00, v28;
	_ =	sdelay $0x1  }
0x80: {  	(erf) = vpow2.f32 v28  }
0x81: {  	v34 =	vld [tilespmem:s16+$0x4010];
	_ =	sdelay $0x4  }
0x82: {  	v27 =	vadd.f32 v34, v27;
	_ =	sdelay $0x1  }
0x83: {  	[tilespmem:$0x1FE00] =	vst v27;
	v27 =	vand.u32 $0x7FFFFFFF, v27  }
0x84: {  	v27 =	vsub.f32 $0.0e+00, v27;
	v35 =	vpop (erf)  }
0x85: {  	v28 =	vadd.f32 $1.000000000e+00, v35  }
0x86: {  	v27 =	vmul.f32 $1.442695020e+00, v27  }
0x87: {  	(erf) = vrcp.f32 v28  }
0x88: {  	(erf) = vpow2.f32 v27  }
0x89: {  	v36 =	vld [tilespmem:s16+$0x4020];
	_ =	sdelay $0x4  }
0x8a: {  	v24 =	vadd.f32 v36, v24;
	_ =	sdelay $0x1  }
0x8b: {  	[tilespmem:$0x1FE50] =	vst v24;
	v24 =	vand.u32 $0x7FFFFFFF, v24;
	v37 =	vpop (erf)  }
0x8c: {  	v24 =	vsub.f32 $0.0e+00, v24;
	v40 =	vpop (erf)  }
0x8d: {  	v27 =	vadd.f32 $1.000000000e+00, v40  }
0x8e: {  	v24 =	vmul.f32 $1.442695020e+00, v24  }
0x8f: {  	(erf) = vrcp.f32 v27  }
0x90: {  	(erf) = vpow2.f32 v24  }
0x91: {  	v42 =	vld [tilespmem:s16+$0x4030];
	_ =	sdelay $0x4  }
0x92: {  	v24 =	vadd.f32 v42, v25;
	_ =	sdelay $0x1  }
0x93: {  	[tilespmem:$0x1FE60] =	vst v24;
	v24 =	vand.u32 $0x7FFFFFFF, v24;
	v43 =	vpop (erf)  }
0x94: {  	v24 =	vsub.f32 $0.0e+00, v24;
	v44 =	vpop (erf)  }
0x95: {  	v25 =	vadd.f32 $1.000000000e+00, v44  }
0x96: {  	v24 =	vmul.f32 $1.442695020e+00, v24  }
0x97: {  	(erf) = vrcp.f32 v25  }
0x98: {  	(erf) = vpow2.f32 v24  }
0x99: {  	v46 =	vld [tilespmem:s16+$0x4040];
	_ =	sdelay $0x4  }
0x9a: {  	v22 =	vadd.f32 v46, v22;
	_ =	sdelay $0x1  }
0x9b: {  	[tilespmem:$0x1FE90] =	vst v22;
	v22 =	vand.u32 $0x7FFFFFFF, v22;
	v47 =	vpop (erf)  }
0x9c: {  	v22 =	vsub.f32 $0.0e+00, v22;
	v48 =	vpop (erf)  }
0x9d: {  	v24 =	vadd.f32 $1.000000000e+00, v48  }
0x9e: {  	v22 =	vmul.f32 $1.442695020e+00, v22  }
0x9f: {  	(erf) = vrcp.f32 v24  }
0xa0: {  	(erf) = vpow2.f32 v22  }
0xa1: {  	v50 =	vld [tilespmem:s16+$0x4050];
	_ =	sdelay $0x4  }
0xa2: {  	v19 =	vadd.f32 v50, v19;
	_ =	sdelay $0x1  }
0xa3: {  	[tilespmem:$0x1FEC0] =	vst v19;
	v19 =	vand.u32 $0x7FFFFFFF, v19;
	v53 =	vpop (erf)  }
0xa4: {  	v19 =	vsub.f32 $0.0e+00, v19;
	v54 =	vpop (erf)  }
0xa5: {  	v22 =	vadd.f32 $1.000000000e+00, v54  }
0xa6: {  	v19 =	vmul.f32 $1.442695020e+00, v19  }
0xa7: {  	(erf) = vrcp.f32 v22  }
0xa8: {  	(erf) = vpow2.f32 v19  }
0xa9: {  	v55 =	vld [tilespmem:s16+$0x4060];
	_ =	sdelay $0x4  }
0xaa: {  	v19 =	vadd.f32 v55, v21;
	_ =	sdelay $0x1  }
0xab: {  	[tilespmem:$0x1FEF0] =	vst v19;
	v19 =	vand.u32 $0x7FFFFFFF, v19;
	v56 =	vpop (erf)  }
0xac: {  	v19 =	vsub.f32 $0.0e+00, v19;
	v57 =	vpop (erf)  }
0xad: {  	v21 =	vadd.f32 $1.000000000e+00, v57  }
0xae: {  	v19 =	vmul.f32 $1.442695020e+00, v19  }
0xaf: {  	(erf) = vrcp.f32 v21  }
0xb0: {  	(erf) = vpow2.f32 v19  }
0xb1: {  	v58 =	vld [tilespmem:s16+$0x4070];
	_ =	sdelay $0x4  }
0xb2: {  	v18 =	vadd.f32 v58, v18;
	_ =	sdelay $0x1  }
0xb3: {  	[tilespmem:$0x1FF20] =	vst v18;
	v18 =	vand.u32 $0x7FFFFFFF, v18;
	v59 =	vpop (erf)  }
0xb4: {  	v18 =	vsub.f32 $0.0e+00, v18;
	v60 =	vpop (erf)  }
0xb5: {  	v19 =	vadd.f32 $1.000000000e+00, v60  }
0xb6: {  	v18 =	vmul.f32 $1.442695020e+00, v18  }
0xb7: {  	(erf) = vrcp.f32 v19  }
0xb8: {  	(erf) = vpow2.f32 v18  }
0xb9: {  	v61 =	vld [tilespmem:s16+$0x4080];
	_ =	sdelay $0x4  }
0xba: {  	v18 =	vadd.f32 v61, v38;
	_ =	sdelay $0x1  }
0xbb: {  	[tilespmem:$0x1FF50] =	vst v18;
	v18 =	vand.u32 $0x7FFFFFFF, v18;
	v19 =	vpop (erf)  }
0xbc: {  	v18 =	vsub.f32 $0.0e+00, v18;
	v62 =	vpop (erf)  }
0xbd: {  	[tilespmem:$0x1FED0] =	vst v19;
	v19 =	vadd.f32 $1.000000000e+00, v62  }
0xbe: {  	v18 =	vmul.f32 $1.442695020e+00, v18  }
0xbf: {  	(erf) = vrcp.f32 v19  }
0xc0: {  	(erf) = vpow2.f32 v18  }
0xc1: {  	v63 =	vld [tilespmem:s16+$0x4090];
	_ =	sdelay $0x4  }
0xc2: {  	v18 =	vadd.f32 v63, v41;
	_ =	sdelay $0x1  }
0xc3: {  	[tilespmem:$0x1FFA0] =	vst v18;
	v18 =	vand.u32 $0x7FFFFFFF, v18;
	v19 =	vpop (erf)  }
0xc4: {  	v18 =	vsub.f32 $0.0e+00, v18;
	v21 =	vpop (erf)  }
0xc5: {  	[tilespmem:$0x1FF00] =	vst v19;
	v19 =	vadd.f32 $1.000000000e+00, v21  }
0xc6: {  	v18 =	vmul.f32 $1.442695020e+00, v18  }
0xc7: {  	(erf) = vrcp.f32 v19  }
0xc8: {  	(erf) = vpow2.f32 v18  }
0xc9: {  	v22 =	vld [tilespmem:s16+$0x40A0];
	_ =	sdelay $0x4  }
0xca: {  	v18 =	vadd.f32 v22, v51;
	_ =	sdelay $0x1  }
0xcb: {  	[tilespmem:$0x1FFB0] =	vst v18;
	v18 =	vand.u32 $0x7FFFFFFF, v18;
	v19 =	vpop (erf)  }
0xcc: {  	v18 =	vsub.f32 $0.0e+00, v18;
	v24 =	vpop (erf)  }
0xcd: {  	[tilespmem:$0x1FF30] =	vst v19;
	v19 =	vadd.f32 $1.000000000e+00, v24  }
0xce: {  	v18 =	vmul.f32 $1.442695020e+00, v18  }
0xcf: {  	(erf) = vrcp.f32 v19  }
0xd0: {  	(erf) = vpow2.f32 v18  }
0xd1: {  	v25 =	vld [tilespmem:s16+$0x40B0];
	_ =	sdelay $0x4  }
0xd2: {  	v18 =	vadd.f32 v25, v45;
	_ =	sdelay $0x1  }
0xd3: {  	[tilespmem:$0x1FFD0] =	vst v18;
	v18 =	vand.u32 $0x7FFFFFFF, v18;
	v19 =	vpop (erf)  }
0xd4: {  	v18 =	vsub.f32 $0.0e+00, v18;
	v27 =	vpop (erf)  }
0xd5: {  	[tilespmem:$0x1FF60] =	vst v19;
	v19 =	vadd.f32 $1.000000000e+00, v27  }
0xd6: {  	v18 =	vmul.f32 $1.442695020e+00, v18  }
0xd7: {  	(erf) = vrcp.f32 v19  }
0xd8: {  	(erf) = vpow2.f32 v18  }
0xd9: {  	v28 =	vld [tilespmem:s16+$0x40C0];
	_ =	sdelay $0x4  }
0xda: {  	v18 =	vadd.f32 v28, v49;
	_ =	sdelay $0x1  }
0xdb: {  	[tilespmem:$0x1FFE0] =	vst v18;
	v18 =	vand.u32 $0x7FFFFFFF, v18;
	v19 =	vpop (erf)  }
0xdc: {  	v18 =	vsub.f32 $0.0e+00, v18;
	v29 =	vpop (erf)  }
0xdd: {  	[tilespmem:$0x1FF80] =	vst v19;
	v19 =	vadd.f32 $1.000000000e+00, v29  }
0xde: {  	v18 =	vmul.f32 $1.442695020e+00, v18  }
0xdf: {  	(erf) = vrcp.f32 v19  }
0xe0: {  	(erf) = vpow2.f32 v18  }
0xe1: {  	v30 =	vld [tilespmem:s16+$0x40D0];
	_ =	sdelay $0x4  }
0xe2: {  	v18 =	vadd.f32 v30, v39  }
0xe3: {  	[tilespmem:$0x1FEE0] =	vst v60  }
0xe4: {  	[tilespmem:$0x1FFF0] =	vst v18;
	v18 =	vand.u32 $0x7FFFFFFF, v18;
	v60 =	vpop (erf)  }
0xe5: {  	v18 =	vsub.f32 $0.0e+00, v18;
	v61 =	vpop (erf)  }
0xe6: {  	v32 =	vadd.f32 $1.000000000e+00, v61  }
0xe7: {  	v18 =	vmul.f32 $1.442695020e+00, v18  }
0xe8: {  	(erf) = vrcp.f32 v32  }
0xe9: {  	(erf) = vpow2.f32 v18  }
0xea: {  	v33 =	vld [tilespmem:s16+$0x40E0];
	_ =	sdelay $0x4  }
0xeb: {  	[tilespmem:$0x1FEA0] =	vst v59;
	v59 =	vadd.f32 v33, v23;
	_ =	sdelay $0x1  }
0xec: {  	[tilespmem:$0x1FF10] =	vst v62;
	v18 =	vand.u32 $0x7FFFFFFF, v59;
	v62 =	vpop (erf)  }
0xed: {  	v18 =	vsub.f32 $0.0e+00, v18;
	v63 =	vpop (erf)  }
0xee: {  	v34 =	vadd.f32 $1.000000000e+00, v63  }
0xef: {  	v18 =	vmul.f32 $1.442695020e+00, v18  }
0xf0: {  	(erf) = vrcp.f32 v34  }
0xf1: {  	(erf) = vpow2.f32 v18  }
0xf2: {  	[tilespmem:$0x1FDB0] =	vst v35;
	v35 =	vld [tilespmem:s16+$0x40F0];
	_ =	sdelay $0x4  }
0xf3: {  	v58 =	vadd.f32 v35, v26;
	_ =	sdelay $0x1  }
0xf4: {  	[tilespmem:$0x1FEB0] =	vst v57;
	v18 =	vand.u32 $0x7FFFFFFF, v58;
	v57 =	vpop (erf)  }
0xf5: {  	[tilespmem:$0x1FE70] =	vst v54;
	v18 =	vsub.f32 $0.0e+00, v18;
	v54 =	vpop (erf)  }
0xf6: {  	v36 =	vadd.f32 $1.000000000e+00, v54  }
0xf7: {  	v18 =	vmul.f32 $1.442695020e+00, v18  }
0xf8: {  	(erf) = vrcp.f32 v36  }
0xf9: {  	(erf) = vpow2.f32 v18  }
0xfa: {  	[tilespmem:$0x1FDC0] =	vst v37;
	v37 =	vld [tilespmem:s16+$0x4100];
	_ =	sdelay $0x4  }
0xfb: {  	[tilespmem:$0x1FE80] =	vst v56;
	v56 =	vadd.f32 v37, v20;
	_ =	sdelay $0x1  }
0xfc: {  	[tilespmem:$0x1FE40] =	vst v53;
	v18 =	vand.u32 $0x7FFFFFFF, v56;
	v53 =	vpop (erf)  }
0xfd: {  	v18 =	vsub.f32 $0.0e+00, v18;
	v49 =	vpop (erf)  }
0xfe: {  	v38 =	vadd.f32 $1.000000000e+00, v49  }
0xff: {  	v18 =	vmul.f32 $1.442695020e+00, v18  }
0x100: {  	(erf) = vrcp.f32 v38  }
0x101: {  	(erf) = vpow2.f32 v18  }
0x102: {  	v39 =	vld [tilespmem:s16+$0x4110];
	_ =	sdelay $0x4  }
0x103: {  	v55 =	vadd.f32 v39, v15;
	_ =	sdelay $0x1  }
0x104: {  	v15 =	vand.u32 $0x7FFFFFFF, v55;
	v50 =	vpop (erf)  }
0x105: {  	v15 =	vsub.f32 $0.0e+00, v15;
	v46 =	vpop (erf)  }
0x106: {  	[tilespmem:$0x1FDE0] =	vst v40;
	v40 =	vadd.f32 $1.000000000e+00, v46  }
0x107: {  	v15 =	vmul.f32 $1.442695020e+00, v15  }
0x108: {  	(erf) = vrcp.f32 v40  }
0x109: {  	(erf) = vpow2.f32 v15  }
0x10a: {  	v41 =	vld [tilespmem:s16+$0x4120];
	_ =	sdelay $0x4  }
0x10b: {  	v51 =	vadd.f32 v41, v16;
	_ =	sdelay $0x1  }
0x10c: {  	[tilespmem:$0x1FE20] =	vst v47;
	v15 =	vand.u32 $0x7FFFFFFF, v51;
	v47 =	vpop (erf)  }
0x10d: {  	[tilespmem:$0x1FE10] =	vst v44;
	v15 =	vsub.f32 $0.0e+00, v15;
	v44 =	vpop (erf)  }
0x10e: {  	v42 =	vadd.f32 $1.000000000e+00, v44  }
0x10f: {  	v15 =	vmul.f32 $1.442695020e+00, v15  }
0x110: {  	(erf) = vrcp.f32 v42  }
0x111: {  	(erf) = vpow2.f32 v15  }
0x112: {  	[tilespmem:$0x1FDF0] =	vst v43;
	v43 =	vld [tilespmem:s16+$0x4130];
	_ =	sdelay $0x4  }
0x113: {  	[tilespmem:$0x1FE30] =	vst v48;
	v48 =	vadd.f32 v43, v14;
	_ =	sdelay $0x1  }
0x114: {  	v14 =	vand.u32 $0x7FFFFFFF, v48;
	v42 =	vpop (erf)  }
0x115: {  	v14 =	vsub.f32 $0.0e+00, v14;
	v41 =	vpop (erf)  }
0x116: {  	v45 =	vadd.f32 $1.000000000e+00, v41  }
0x117: {  	v14 =	vmul.f32 $1.442695020e+00, v14  }
0x118: {  	(erf) = vrcp.f32 v45  }
0x119: {  	(erf) = vpow2.f32 v14;
	_ =	sdelay $0x5  }
0x11a: {  	v45 =	vadd.f32 v52, v11;
	_ =	sdelay $0x1  }
0x11b: {  	v11 =	vand.u32 $0x7FFFFFFF, v45;
	v52 =	vpop (erf)  }
0x11c: {  	v11 =	vsub.f32 $0.0e+00, v11;
	v38 =	vpop (erf)  }
0x11d: {  	v18 =	vadd.f32 $1.000000000e+00, v38  }
0x11e: {  	v11 =	vmul.f32 $1.442695020e+00, v11  }
0x11f: {  	(erf) = vrcp.f32 v18  }
0x120: {  	(erf) = vpow2.f32 v11  }
0x121: {  	v19 =	vld [tilespmem:s16+$0x4150];
	_ =	sdelay $0x4  }
0x122: {  	v43 =	vadd.f32 v19, v12;
	_ =	sdelay $0x1  }
0x123: {  	v11 =	vand.u32 $0x7FFFFFFF, v43;
	v39 =	vpop (erf)  }
0x124: {  	v11 =	vsub.f32 $0.0e+00, v11;
	v37 =	vpop (erf)  }
0x125: {  	v20 =	vadd.f32 $1.000000000e+00, v37  }
0x126: {  	v11 =	vmul.f32 $1.442695020e+00, v11  }
0x127: {  	(erf) = vrcp.f32 v20  }
0x128: {  	(erf) = vpow2.f32 v11  }
0x129: {  	[tilespmem:$0x1FF40] =	vst v21;
	v21 =	vld [tilespmem:s16+$0x4160];
	_ =	sdelay $0x4  }
0x12a: {  	v40 =	vadd.f32 v21, v9;
	_ =	sdelay $0x1  }
0x12b: {  	v9 =	vand.u32 $0x7FFFFFFF, v40;
	v35 =	vpop (erf)  }
0x12c: {  	v9 =	vsub.f32 $0.0e+00, v9;
	v32 =	vpop (erf)  }
0x12d: {  	v22 =	vadd.f32 $1.000000000e+00, v32  }
0x12e: {  	v9 =	vmul.f32 $1.442695020e+00, v9  }
0x12f: {  	(erf) = vrcp.f32 v22  }
0x130: {  	(erf) = vpow2.f32 v9;
	_ =	sdelay $0x5  }
0x131: {  	v36 =	vadd.f32 v31, v7;
	_ =	sdelay $0x1  }
0x132: {  	v7 =	vand.u32 $0x7FFFFFFF, v36;
	v34 =	vpop (erf)  }
0x133: {  	v7 =	vsub.f32 $0.0e+00, v7;
	v31 =	vpop (erf)  }
0x134: {  	v23 =	vadd.f32 $1.000000000e+00, v31  }
0x135: {  	v7 =	vmul.f32 $1.442695020e+00, v7  }
0x136: {  	(erf) = vrcp.f32 v23  }
0x137: {  	(erf) = vpow2.f32 v7  }
0x138: {  	[tilespmem:$0x1FF70] =	vst v24;
	v24 =	vld [tilespmem:s16+$0x4180];
	_ =	sdelay $0x4  }
0x139: {  	v33 =	vadd.f32 v24, v8;
	_ =	sdelay $0x1  }
0x13a: {  	[tilespmem:$0x1FFC0] =	vst v29;
	v7 =	vand.u32 $0x7FFFFFFF, v33;
	v29 =	vpop (erf)  }
0x13b: {  	[tilespmem:$0x1FF90] =	vst v27;
	v7 =	vsub.f32 $0.0e+00, v7;
	v27 =	vpop (erf)  }
0x13c: {  	v25 =	vadd.f32 $1.000000000e+00, v27  }
0x13d: {  	v7 =	vmul.f32 $1.442695020e+00, v7  }
0x13e: {  	(erf) = vrcp.f32 v25  }
0x13f: {  	(erf) = vpow2.f32 v7  }
0x140: {  	v26 =	vld [tilespmem:s16+$0x4190];
	_ =	sdelay $0x4  }
0x141: {  	v30 =	vadd.f32 v26, v6;
	_ =	sdelay $0x1  }
0x142: {  	v6 =	vand.u32 $0x7FFFFFFF, v30;
	v26 =	vpop (erf)  }
0x143: {  	v6 =	vsub.f32 $0.0e+00, v6;
	v24 =	vpop (erf)  }
0x144: {  	v28 =	vadd.f32 $1.000000000e+00, v24  }
0x145: {  	v6 =	vmul.f32 $1.442695020e+00, v6  }
0x146: {  	(erf) = vrcp.f32 v28  }
0x147: {  	(erf) = vpow2.f32 v6;
	_ =	sdelay $0x5  }
0x148: {  	v28 =	vadd.f32 v17, v4;
	_ =	sdelay $0x1  }
0x149: {  	v4 =	vand.u32 $0x7FFFFFFF, v28;
	v23 =	vpop (erf)  }
0x14a: {  	v4 =	vsub.f32 $0.0e+00, v4;
	v22 =	vpop (erf)  }
0x14b: {  	v9 =	vadd.f32 $1.000000000e+00, v22  }
0x14c: {  	v4 =	vmul.f32 $1.442695020e+00, v4  }
0x14d: {  	(erf) = vrcp.f32 v9  }
0x14e: {  	(erf) = vpow2.f32 v4  }
0x14f: {  	v11 =	vld [tilespmem:s16+$0x41B0];
	_ =	sdelay $0x4  }
0x150: {  	v25 =	vadd.f32 v11, v5;
	_ =	sdelay $0x1  }
0x151: {  	v4 =	vand.u32 $0x7FFFFFFF, v25;
	v21 =	vpop (erf)  }
0x152: {  	v4 =	vsub.f32 $0.0e+00, v4;
	v19 =	vpop (erf)  }
0x153: {  	v12 =	vadd.f32 $1.000000000e+00, v19  }
0x154: {  	v4 =	vmul.f32 $1.442695020e+00, v4  }
0x155: {  	(erf) = vrcp.f32 v12  }
0x156: {  	(erf) = vpow2.f32 v4  }
0x157: {  	v14 =	vld [tilespmem:s16+$0x41C0];
	_ =	sdelay $0x4  }
0x158: {  	v20 =	vadd.f32 v14, v3;
	_ =	sdelay $0x1  }
0x159: {  	v3 =	vand.u32 $0x7FFFFFFF, v20;
	v17 =	vpop (erf)  }
0x15a: {  	v3 =	vsub.f32 $0.0e+00, v3;
	v14 =	vpop (erf)  }
0x15b: {  	v15 =	vadd.f32 $1.000000000e+00, v14  }
0x15c: {  	v3 =	vmul.f32 $1.442695020e+00, v3  }
0x15d: {  	(erf) = vrcp.f32 v15  }
0x15e: {  	(erf) = vpow2.f32 v3;
	_ =	sdelay $0x5  }
0x15f: {  	v18 =	vadd.f32 v13, v1;
	_ =	sdelay $0x1  }
0x160: {  	v8 =	vld [tilespmem:$0x1FDD0];
	v1 =	vand.u32 $0x7FFFFFFF, v18;
	v15 =	vpop (erf)  }
0x161: {  	v1 =	vsub.f32 $0.0e+00, v1;
	v13 =	vpop (erf)  }
0x162: {  	v16 =	vadd.f32 $1.000000000e+00, v13  }
0x163: {  	v1 =	vmul.f32 $1.442695020e+00, v1  }
0x164: {  	v4 =	vld [tilespmem:s16+$0x41E0];
	(erf) = vrcp.f32 v16  }
0x165: {  	vm0 =	vge.f32 v8, $0.0e+00;
	v8 =	vld [tilespmem:$0x1FE00];
	(erf) = vpow2.f32 v1;
	_ =	sdelay $0x3  }
0x166: {  	v16 =	vadd.f32 v4, v2  }
0x167: {  	vm10 =	vge.f32 v8, $0.0e+00;
	v8 =	vld [tilespmem:$0x1FE30]  }
0x168: {  	v11 =	vld [tilespmem:$0x1FDE0];
	v1 =	vand.u32 $0x7FFFFFFF, v16  }
0x169: {  	v7 =	vld [tilespmem:$0x1FDB0];
	v5 =	vsub.f32 $0.0e+00, v1  }
0x16a: {  	v4 =	vld [tilespmem:$0x1FDF0];
	v12 =	vpop (erf)  }
0x16b: {  	v2 =	vmul.f32 $1.442695020e+00, v5;
	v5 =	vld [tilespmem:$0x1FE40];
	v9 =	vpop (erf)  }
0x16c: {  	v3 =	vld [tilespmem:$0x1FDC0];
	v6 =	vadd.f32 $1.000000000e+00, v9;
	_ =	sdelay $0x1  }
0x16d: {  	(erf) = vrcp.f32 v6  }
0x16e: {  	(erf) = vpow2.f32 v2  }
0x16f: {  	v2 =	vmul.f32 v4, v11;
	v11 =	vadd.f32 v10, v0;
	v0 =	vmul.f32 v5, v8;
	v8 =	vld [tilespmem:$0x1FE60]  }
0x170: {  	v1 =	vmul.f32 v3, v7;
	v7 =	vld [tilespmem:$0x1FE50];
	_ =	sdelay $0x1  }
0x171: {  	v3 =	vsel vm0, v3, v1;
	v1 =	vld [tilespmem:$0x1FE70]  }
0x172: {  	[tilespmem:$0x7400] =	vst v3;
	v3 =	vld [tilespmem:$0x1FEA0]  }
0x173: {  	v6 =	vld [tilespmem:$0x1FE80];
	vm1 =	vge.f32 v8, $0.0e+00  }
0x174: {  	vm11 =	vge.f32 v7, $0.0e+00;
	v7 =	vsel vm1, v5, v0;
	v5 =	vld [tilespmem:$0x1FE90]  }
0x175: {  	v10 =	vld [tilespmem:$0x1FE10]  }
0x176: {  	v2 =	vsel vm10, v4, v2;
	v4 =	vld [tilespmem:$0x1FE20]  }
0x177: {  	[tilespmem:$0x7410] =	vst v2;
	v2 =	vld [tilespmem:$0x1FEC0]  }
0x178: {  	v1 =	vmul.f32 v6, v1;
	v8 =	vld [tilespmem:$0x1FEB0]  }
0x179: {  	v0 =	vld [tilespmem:$0x1FED0];
	vm12 =	vge.f32 v5, $0.0e+00  }
0x17a: {  	v6 =	vsel vm12, v6, v1;
	v1 =	vld [tilespmem:$0x1FEE0];
	_ =	sdelay $0x1  }
0x17b: {  	v10 =	vmul.f32 v4, v10;
	v5 =	vand.u32 $0x7FFFFFFF, v11;
	[tilespmem:$0x7440] =	vst v6;
	v6 =	vld [tilespmem:$0x1FF20];
	_ =	sdelay $0x1  }
0x17c: {  	v10 =	vsel vm11, v4, v10;
	v4 =	vmul.f32 v3, v8;
	v8 =	vpop (erf)  }
0x17d: {  	vm13 =	vge.f32 v2, $0.0e+00;
	v2 =	vmul.f32 v0, v1;
	v1 =	vsub.f32 $0.0e+00, v5;
	v5 =	vpop (erf)  }
0x17e: {  	[tilespmem:$0x7420] =	vst v10;
	v3 =	vsel vm13, v3, v4;
	v4 =	vld [tilespmem:$0x1FEF0];
	v10 =	vadd.f32 $1.000000000e+00, v5  }
0x17f: {  	vm15 =	vge.f32 v6, $0.0e+00;
	v6 =	vld [tilespmem:$0x1FF30]  }
0x180: {  	(erf) = vrcp.f32 v10;
	v10 =	vld [tilespmem:$0x1FF40];
	_ =	sdelay $0x1  }
0x181: {  	[tilespmem:$0x7430] =	vst v7;
	v7 =	vld [tilespmem:$0x1FF00]  }
0x182: {  	vm14 =	vge.f32 v4, $0.0e+00;
	v4 =	vld [tilespmem:$0x1FF10];
	_ =	sdelay $0x1  }
0x183: {  	v2 =	vsel vm14, v0, v2;
	v0 =	vmul.f32 $1.442695020e+00, v1;
	v1 =	vmul.f32 v6, v10;
	v10 =	vld [tilespmem:$0x1FF50];
	_ =	sdelay $0x2  }
0x184: {  	v4 =	vmul.f32 v7, v4;
	_ =	sdelay $0x1  }
0x185: {  	[tilespmem:$0x7450] =	vst v3;
	v3 =	vsel vm15, v7, v4;
	v4 =	vld [tilespmem:$0x1FF60];
	vm4 =	vge.f32 v10, $0.0e+00  }
0x186: {  	(erf) = vpow2.f32 v0;
	v0 =	vsel vm4, v6, v1;
	v6 =	vld [tilespmem:$0x1FF70];
	_ =	sdelay $0x3  }
0x187: {  	v7 =	vld [tilespmem:$0x1FF90]  }
0x188: {  	v1 =	vmul.f32 v4, v6;
	v6 =	vld [tilespmem:$0x1FF80];
	_ =	sdelay $0x3  }
0x189: {  	v10 =	vld [tilespmem:$0x1FFA0]  }
0x18a: {  	[tilespmem:$0x7460] =	vst v2;
	v2 =	vmul.f32 v6, v7;
	v7 =	vld [tilespmem:$0x1FFB0];
	_ =	sdelay $0x3  }
0x18b: {  	vm5 =	vge.f32 v10, $0.0e+00;
	v10 =	vld [tilespmem:$0x1FFC0]  }
0x18c: {  	vm6 =	vge.f32 v7, $0.0e+00;
	v7 =	vld [tilespmem:$0x1FFD0];
	_ =	sdelay $0x2  }
0x18d: {  	vm10 =	vge.f32 v59, $0.0e+00;
	v59 =	vmul.f32 v42, v44;
	vm13 =	vge.f32 v55, $0.0e+00  }
0x18e: {  	[tilespmem:$0x7470] =	vst v3;
	v4 =	vsel vm5, v4, v1;
	vm5 =	vge.f32 v43, $0.0e+00;
	v3 =	vmul.f32 v60, v10  }
0x18f: {  	v43 =	vmul.f32 v29, v31;
	[tilespmem:$0x7490] =	vst v4;
	v4 =	vld [tilespmem:$0x1FFF0];
	v6 =	vsel vm6, v6, v2;
	vm7 =	vge.f32 v7, $0.0e+00  }
0x190: {  	[tilespmem:$0x7480] =	vst v0;
	v10 =	vsel vm7, v60, v3;
	v60 =	vmul.f32 v62, v61;
	v61 =	vmul.f32 v57, v63;
	v63 =	vld [tilespmem:$0x1FFE0]  }
0x191: {  	v2 =	vsel vm13, v42, v59;
	vm6 =	vge.f32 v40, $0.0e+00;
	[tilespmem:$0x74A0] =	vst v6;
	v6 =	vmul.f32 v53, v54  }
0x192: {  	vm4 =	vge.f32 v45, $0.0e+00;
	[tilespmem:$0x7510] =	vst v2;
	v45 =	vsel vm6, v29, v43  }
0x193: {  	v44 =	vmul.f32 v26, v27;
	vm11 =	vge.f32 v58, $0.0e+00;
	[tilespmem:$0x7560] =	vst v45;
	v53 =	vsel vm10, v53, v6  }
0x194: {  	vm12 =	vge.f32 v56, $0.0e+00;
	vm15 =	vge.f32 v48, $0.0e+00;
	vm9 =	vge.f32 v4, $0.0e+00;
	[tilespmem:$0x74E0] =	vst v53  }
0x195: {  	v48 =	vmul.f32 v21, v22;
	v4 =	vpop (erf);
	[tilespmem:$0x74B0] =	vst v10;
	v10 =	vsel vm9, v57, v61;
	vm8 =	vge.f32 v63, $0.0e+00  }
0x196: {  	v6 =	vpop (erf);
	v57 =	vmul.f32 v47, v46;
	vm9 =	vge.f32 v30, $0.0e+00;
	[tilespmem:$0x74D0] =	vst v10;
	v7 =	vsel vm8, v62, v60  }
0x197: {  	vm14 =	vge.f32 v51, $0.0e+00;
	v51 =	vsel vm9, v21, v48;
	[tilespmem:$0x74C0] =	vst v7;
	v7 =	vadd.f32 $1.000000000e+00, v6  }
0x198: {  	v54 =	vmul.f32 v50, v49;
	vm7 =	vge.f32 v36, $0.0e+00;
	v61 =	vsel vm12, v47, v57;
	[tilespmem:$0x7590] =	vst v51  }
0x199: {  	v47 =	vsel vm7, v26, v44;
	v63 =	vmul.f32 v39, v38;
	[tilespmem:$0x7500] =	vst v61;
	(erf) = vrcp.f32 v7  }
0x19a: {  	v46 =	vmul.f32 v23, v24;
	[tilespmem:$0x7570] =	vst v47;
	v60 =	vsel vm11, v50, v54  }
0x19b: {  	v56 =	vmul.f32 v8, v9;
	vm8 =	vge.f32 v33, $0.0e+00;
	[tilespmem:$0x74F0] =	vst v60;
	v38 =	vsel vm15, v39, v63  }
0x19c: {  	vm13 =	vge.f32 v18, $0.0e+00;
	v62 =	vmul.f32 v52, v41;
	v49 =	vsel vm8, v23, v46;
	[tilespmem:$0x7530] =	vst v38  }
0x19d: {  	v50 =	vmul.f32 v17, v19;
	v60 =	vsel vm13, v8, v56;
	[tilespmem:$0x7580] =	vst v49  }
0x19e: {  	vm10 =	vge.f32 v28, $0.0e+00;
	v54 =	vmul.f32 v12, v13;
	v0 =	vsel vm14, v52, v62;
	[tilespmem:$0x75D0] =	vst v60  }
0x19f: {  	vm12 =	vge.f32 v20, $0.0e+00;
	v39 =	vmul.f32 v35, v37;
	v53 =	vsel vm10, v17, v50;
	[tilespmem:$0x7520] =	vst v0  }
0x1a0: {  	v41 =	vmul.f32 v34, v32;
	v57 =	vsel vm12, v12, v54;
	[tilespmem:$0x75A0] =	vst v53  }
0x1a1: {  	v58 =	vmul.f32 v4, v5;
	v42 =	vsel vm4, v35, v39;
	[tilespmem:$0x75C0] =	vst v57  }
0x1a2: {  	v52 =	vmul.f32 v15, v14;
	vm14 =	vge.f32 v16, $0.0e+00;
	v0 =	vsel vm5, v34, v41;
	[tilespmem:$0x7540] =	vst v42;
	v59 =	vpop (erf)  }
0x1a3: {  	vm11 =	vge.f32 v25, $0.0e+00;
	v62 =	vsel vm14, v4, v58;
	[tilespmem:$0x7550] =	vst v0;
	v61 =	vmul.f32 v59, v6  }
0x1a4: {  	s15 =	sadd.s32 $0x1, s15;
	vm15 =	vge.f32 v11, $0.0e+00;
	v55 =	vsel vm11, v15, v52;
	[tilespmem:$0x75E0] =	vst v62  }
0x1a5: {  	p0 =	sne.s32 s15, s8;
	[tilespmem:$0x75B0] =	vst v55;
	v63 =	vsel vm15, v59, v61  }
.Ltmp3:
0x1a6: {  	[tilespmem:$0x75F0] =	vst v63;
	(pc) =	sbr.rel @p0 .LBB2_1-.Ltmp3, $4  }
0x1a7: {  	[hbm4b:s7+s5] =	stream.linear.scatter [tilespmem:s14], [sflag:$0x3], $0x200, $0x38;
	[tilespmem:$0x7680] =	vst v63  }
0x1a8: {  	_ =	swait.ge [sflag:s10], $0x200  }
0x1a9: {  	[sflag:s10] =	ssyncset.done $0x0  }
0x1aa: {  	[sflag:s10] =	ssyncadd.s32 $0xFFFFFE00  }
0x1ab: {  	_ =	sfence.sel $0x180000  }
0x1ac: {  	[bflag:$0x0] =	sbarrier.arrive $0xFFFF  }
0x1ad: {  	p0 =	sne.s32 s4, $0x0;
	_ =	strace $0x90000047  }
0x1ae: {  	s0 =	sadd.s32 @!p0 $0x100000, s0;
	[bflag:$0x2] =	sbarrier.arrive $0xFFFF  }
0x1af: {  	[sflag:s0] =	ssyncadd.tile.s32 @!p0 $0x1;
	_ =	shalt  }
.Lfunc_end2:
_tile_overlayer_lowered:
.L_overlay_start_2:
0x1b0: {  	(tag) =	ssettag $0x2  }
0x1b1: {  	s0 =	rddreg [dreg:$0x0];
	s2 =	stileid.u32  }
0x1b2: {  	s1 =	rddreg [dreg:$0x1];
	p0 =	sne.s32 s2, $0x0  }
0x1b3: {  	s3 =	rddreg [dreg:$0x2];
	[bflag:$0x3] =	sbarrier.arrive $0xFFFF;
	s2 =	simm.s32 @!p0 $0x1C03  }
0x1b4: {  	[timem:s3], [sflag:s2] =	dma.local @!p0 [hbm:s0], s1  }
0x1b5: {  	s0 =	simm.s32 @!p0 $0x3  }
0x1b6: {  	_ =	swait.ge @!p0 [sflag:s0], s1  }
0x1b7: {  	s1 =	ssub.s32 @!p0 $0x0, s1;
	[sflag:s0] =	ssyncset.done @!p0 $0x0  }
0x1b8: {  	[sflag:s0] =	ssyncadd.s32 @!p0 s1  }
0x1b9: {  	[bflag:$0x3] =	sbarrier.arrive $0xFFFF  }
0x1ba: {  	_ =	shalt  }

</sc_bundles>
